<compile_context>
chip_gen: v7x
topology: tpu7x:2x2x1
jax: 0.10.2.dev20260603
libtpu: 0.0.44.dev20260713+nightly
codegen_flags: <defaults>
</compile_context>

<pallas_src>
import functools

import jax
import jax.numpy as jnp
from jax import lax
from jax.experimental import pallas as pl
from jax.experimental.pallas import tpu as pltpu
from jax.experimental.pallas import tpu_sc as plsc

NC = 2
NS = 16
L = 16
NW = NC * NS
B = 16384
D = 32
BPW = B // NW
CHUNK = 128
NIDX = BPW // CHUNK
UNROLL = 4
NITER = BPW // (L * UNROLL)

_mesh = plsc.VectorSubcoreMesh(core_axis_name="c", subcore_axis_name="s")


@functools.partial(
    pl.kernel,
    out_type=jax.ShapeDtypeStruct((B,), jnp.float32),
    mesh=_mesh,
    compiler_params=pltpu.CompilerParams(
        needs_layout_passes=False, use_tc_tiling_on_sc=False),
    scratch_types=[
        pltpu.VMEM((NIDX, CHUNK), jnp.int32),
        pltpu.VMEM((NIDX, CHUNK), jnp.int32),
        pltpu.VMEM((BPW, D), jnp.float32),
        pltpu.VMEM((BPW, D), jnp.float32),
        pltpu.VMEM((D, L), jnp.float32),
        pltpu.VMEM((L,), jnp.float32),
        pltpu.VMEM((BPW,), jnp.float32),
        pltpu.SemaphoreType.DMA,
        pltpu.SemaphoreType.DMA,
    ],
)
def _gmf_sc(uid_hbm, mid_hbm, utab_hbm, mtab_hbm, wb_hbm, bb_hbm,
            out_hbm, uidx, midx, urows, mrows, wv, bv, outv, su, sm):
    wid = lax.axis_index("s") * NC + lax.axis_index("c")
    base = wid * BPW

    pltpu.sync_copy(uid_hbm.at[wid], uidx)
    pltpu.sync_copy(mid_hbm.at[wid], midx)
    ucopies = [
        pltpu.async_copy(utab_hbm.at[uidx.at[j]],
                         urows.at[pl.ds(j * CHUNK, CHUNK)], su)
        for j in range(NIDX)
    ]
    mcopies = [
        pltpu.async_copy(mtab_hbm.at[midx.at[j]],
                         mrows.at[pl.ds(j * CHUNK, CHUNK)], sm)
        for j in range(NIDX)
    ]
    pltpu.sync_copy(wb_hbm, wv)
    pltpu.sync_copy(bb_hbm, bv)
    for c in ucopies:
        c.wait()
    for c in mcopies:
        c.wait()

    bias = bv[...]
    lane = lax.iota(jnp.int32, L)

    def body(it, carry):
        base_row = it * (L * UNROLL)
        rows = [lane + (base_row + u * L) for u in range(UNROLL)]
        accs = [bias] * UNROLL
        for d in range(D):
            wd = wv[d, :]
            col = jnp.full((L,), d, dtype=jnp.int32)
            for u in range(UNROLL):
                uc = plsc.load_gather(urows, [rows[u], col])
                mc = plsc.load_gather(mrows, [rows[u], col])
                accs[u] = accs[u] + uc * mc * wd
        for u in range(UNROLL):
            outv[pl.ds(base_row + u * L, L)] = accs[u]
        return carry

    lax.fori_loop(0, NITER, body, 0)
    pltpu.sync_copy(outv, out_hbm.at[pl.ds(base, BPW)])


def kernel(user_ids, movie_ids, user_table, movie_table, W, b):
    uid = user_ids.astype(jnp.int32).reshape(NW, NIDX, CHUNK)
    mid = movie_ids.astype(jnp.int32).reshape(NW, NIDX, CHUNK)
    w_bcast = jnp.broadcast_to(W.reshape(D, 1), (D, L))
    b_bcast = jnp.broadcast_to(b.reshape(1), (L,))
    return _gmf_sc(uid, mid, user_table, movie_table, w_bcast, b_bcast)

# --- scband reference (transcript-rebuilt; emitter-appended) ---
"""Pipeline reference for scband-gmf-44616120270972 (READ-ONLY COPY).

The authoritative reference and input builder live on the scoring server;
editing this copy changes nothing except your own understanding.
"""

import jax, jax.numpy as jnp
import numpy as np

NUM_USERS = 1000000
NUM_MOVIES = 100000
EMBED_DIM = 32
BATCH = 16384

def setup_inputs(seed: int = 0) -> dict:
    key = jax.random.key(seed)
    k1, k2, k3, k4, k5, k6 = jax.random.split(key, 6)
    user_ids = jax.random.randint(k1, (BATCH,), 0, NUM_USERS, dtype=jnp.int64 if jax.config.jax_enable_x64 else jnp.int32)
    movie_ids = jax.random.randint(k2, (BATCH,), 0, NUM_MOVIES, dtype=jnp.int64 if jax.config.jax_enable_x64 else jnp.int32)
    user_table = jax.random.normal(k3, (NUM_USERS, EMBED_DIM), dtype=jnp.float32) * 0.01
    movie_table = jax.random.normal(k4, (NUM_MOVIES, EMBED_DIM), dtype=jnp.float32) * 0.01
    # nn.Linear(embedding_dim, 1): weight [1, embed_dim], bias [1]
    bound = 1.0 / np.sqrt(EMBED_DIM)
    W = jax.random.uniform(k5, (1, EMBED_DIM), dtype=jnp.float32, minval=-bound, maxval=bound)
    b = jax.random.uniform(k6, (1,), dtype=jnp.float32, minval=-bound, maxval=bound)
    return {"user_ids": user_ids, "movie_ids": movie_ids, "user_table": user_table, "movie_table": movie_table, "W": W, "b": b}

def reference(user_ids, movie_ids, user_table, movie_table, W, b):
    user_embeds = jnp.take(user_table, user_ids, axis=0)    # [B, D]
    movie_embeds = jnp.take(movie_table, movie_ids, axis=0) # [B, D]
    output = user_embeds * movie_embeds                      # [B, D]
    output = output @ W.T + b                                # [B, 1]
    return jnp.squeeze(output, axis=-1)                      # [B]

if __name__ == "__main__":
    import jax
    _d = setup_inputs()
    print(jax.jit(kernel)(*tuple(_d.values())))

</pallas_src>

<mosaic_0001>
#map = affine_map<(d0, d1) -> (0, 0, 0)>
#map1 = affine_map<(d0, d1) -> (0, 0)>
#map2 = affine_map<(d0, d1) -> (0)>
module attributes {stable_mosaic.version = 14 : i64} {
  func.func @_gmf_sc(%arg0: i32, %arg1: i32, %arg2: memref<32x4x128xi32, #tpu.memory_space<hbm>>, %arg3: memref<32x4x128xi32, #tpu.memory_space<hbm>>, %arg4: memref<1000000x32xf32, #tpu.memory_space<hbm>>, %arg5: memref<100000x32xf32, #tpu.memory_space<hbm>>, %arg6: memref<32x16xf32, #tpu.memory_space<hbm>>, %arg7: memref<16xf32, #tpu.memory_space<hbm>>, %arg8: memref<16384xf32, #tpu.memory_space<hbm>>, %arg9: memref<4x128xi32, #tpu.memory_space<vmem>>, %arg10: memref<4x128xi32, #tpu.memory_space<vmem>>, %arg11: memref<512x32xf32, #tpu.memory_space<vmem>>, %arg12: memref<512x32xf32, #tpu.memory_space<vmem>>, %arg13: memref<32x16xf32, #tpu.memory_space<vmem>>, %arg14: memref<16xf32, #tpu.memory_space<vmem>>, %arg15: memref<512xf32, #tpu.memory_space<vmem>>, %arg16: memref<!tpu.dma_semaphore, #tpu.memory_space<semaphore_mem>>, %arg17: memref<!tpu.dma_semaphore, #tpu.memory_space<semaphore_mem>>) attributes {dimension_semantics = [#tpu.dimension_semantics<core_parallel>, #tpu.dimension_semantics<subcore_parallel>], iteration_bounds = array<i64: 2, 16>, scalar_prefetch = 0 : i64, scratch_operands = 9 : i64, tpu.core_type = #tpu.core_type<sc_vector_subcore>, window_params = [{transform_indices = #map}, {transform_indices = #map}, {transform_indices = #map1}, {transform_indices = #map1}, {transform_indices = #map1}, {transform_indices = #map2}, {transform_indices = #map2}]} {
    %mul3A = arith.constant 2 : i32
    %mul3A_0 = arith.muli %arg1, %mul3A : i32
    %add3A = arith.addi %mul3A_0, %arg0 : i32
    %mul3A_1 = arith.constant 512 : i32
    %mul3A_2 = arith.muli %add3A, %mul3A_1 : i32
    "tpu.region"() ({
      %run_scoped3A = tpu.sem_alloc : memref<!tpu.dma_semaphore, #tpu.memory_space<semaphore_mem>>
      %dma_start3A_167 = arith.constant 0 : i32
      %dma_start3A_168 = arith.constant 0 : i32
      %dma_start3A_169 = tpu.memref_slice %arg2[%add3A, %dma_start3A_167, %dma_start3A_168] : memref<32x4x128xi32, #tpu.memory_space<hbm>> -> memref<1x4x128xi32, #tpu.memory_space<hbm>>
      %dma_start3A_170 = tpu.memref_squeeze %dma_start3A_169 : memref<1x4x128xi32, #tpu.memory_space<hbm>> -> memref<4x128xi32, #tpu.memory_space<hbm>>
      %dma_start3A_171 = arith.constant 0 : i32
      %dma_start3A_172 = arith.constant 0 : i32
      %dma_start3A_173 = tpu.memref_slice %arg2[%add3A, %dma_start3A_171, %dma_start3A_172] : memref<32x4x128xi32, #tpu.memory_space<hbm>> -> memref<1x4x128xi32, #tpu.memory_space<hbm>>
      %dma_start3A_174 = tpu.memref_squeeze %dma_start3A_173 : memref<1x4x128xi32, #tpu.memory_space<hbm>> -> memref<4x128xi32, #tpu.memory_space<hbm>>
      tpu.enqueue_dma source(%dma_start3A_174 : memref<4x128xi32, #tpu.memory_space<hbm>>) target(%arg9 : memref<4x128xi32, #tpu.memory_space<vmem>>) target_semaphore(%run_scoped3A : memref<!tpu.dma_semaphore, #tpu.memory_space<semaphore_mem>>)
      %dma_wait3A_175 = arith.constant 0 : i32
      %dma_wait3A_176 = arith.constant 0 : i32
      %dma_wait3A_177 = tpu.memref_slice %arg2[%add3A, %dma_wait3A_175, %dma_wait3A_176] : memref<32x4x128xi32, #tpu.memory_space<hbm>> -> memref<1x4x128xi32, #tpu.memory_space<hbm>>
      %dma_wait3A_178 = tpu.memref_squeeze %dma_wait3A_177 : memref<1x4x128xi32, #tpu.memory_space<hbm>> -> memref<4x128xi32, #tpu.memory_space<hbm>>
      %dma_wait3A_179 = arith.constant 0 : i32
      %dma_wait3A_180 = arith.constant 0 : i32
      %dma_wait3A_181 = tpu.memref_slice %arg2[%add3A, %dma_wait3A_179, %dma_wait3A_180] : memref<32x4x128xi32, #tpu.memory_space<hbm>> -> memref<1x4x128xi32, #tpu.memory_space<hbm>>
      %dma_wait3A_182 = tpu.memref_squeeze %dma_wait3A_181 : memref<1x4x128xi32, #tpu.memory_space<hbm>> -> memref<4x128xi32, #tpu.memory_space<hbm>>
      tpu.wait_dma2 semaphore(%run_scoped3A : memref<!tpu.dma_semaphore, #tpu.memory_space<semaphore_mem>>) src(%dma_wait3A_182 : memref<4x128xi32, #tpu.memory_space<hbm>>) dst(%arg9 : memref<4x128xi32, #tpu.memory_space<vmem>>)
      tpu.yield
    }) : () -> ()
    "tpu.region"() ({
      %run_scoped3A = tpu.sem_alloc : memref<!tpu.dma_semaphore, #tpu.memory_space<semaphore_mem>>
      %dma_start3A_167 = arith.constant 0 : i32
      %dma_start3A_168 = arith.constant 0 : i32
      %dma_start3A_169 = tpu.memref_slice %arg3[%add3A, %dma_start3A_167, %dma_start3A_168] : memref<32x4x128xi32, #tpu.memory_space<hbm>> -> memref<1x4x128xi32, #tpu.memory_space<hbm>>
      %dma_start3A_170 = tpu.memref_squeeze %dma_start3A_169 : memref<1x4x128xi32, #tpu.memory_space<hbm>> -> memref<4x128xi32, #tpu.memory_space<hbm>>
      %dma_start3A_171 = arith.constant 0 : i32
      %dma_start3A_172 = arith.constant 0 : i32
      %dma_start3A_173 = tpu.memref_slice %arg3[%add3A, %dma_start3A_171, %dma_start3A_172] : memref<32x4x128xi32, #tpu.memory_space<hbm>> -> memref<1x4x128xi32, #tpu.memory_space<hbm>>
      %dma_start3A_174 = tpu.memref_squeeze %dma_start3A_173 : memref<1x4x128xi32, #tpu.memory_space<hbm>> -> memref<4x128xi32, #tpu.memory_space<hbm>>
      tpu.enqueue_dma source(%dma_start3A_174 : memref<4x128xi32, #tpu.memory_space<hbm>>) target(%arg10 : memref<4x128xi32, #tpu.memory_space<vmem>>) target_semaphore(%run_scoped3A : memref<!tpu.dma_semaphore, #tpu.memory_space<semaphore_mem>>)
      %dma_wait3A_175 = arith.constant 0 : i32
      %dma_wait3A_176 = arith.constant 0 : i32
      %dma_wait3A_177 = tpu.memref_slice %arg3[%add3A, %dma_wait3A_175, %dma_wait3A_176] : memref<32x4x128xi32, #tpu.memory_space<hbm>> -> memref<1x4x128xi32, #tpu.memory_space<hbm>>
      %dma_wait3A_178 = tpu.memref_squeeze %dma_wait3A_177 : memref<1x4x128xi32, #tpu.memory_space<hbm>> -> memref<4x128xi32, #tpu.memory_space<hbm>>
      %dma_wait3A_179 = arith.constant 0 : i32
      %dma_wait3A_180 = arith.constant 0 : i32
      %dma_wait3A_181 = tpu.memref_slice %arg3[%add3A, %dma_wait3A_179, %dma_wait3A_180] : memref<32x4x128xi32, #tpu.memory_space<hbm>> -> memref<1x4x128xi32, #tpu.memory_space<hbm>>
      %dma_wait3A_182 = tpu.memref_squeeze %dma_wait3A_181 : memref<1x4x128xi32, #tpu.memory_space<hbm>> -> memref<4x128xi32, #tpu.memory_space<hbm>>
      tpu.wait_dma2 semaphore(%run_scoped3A : memref<!tpu.dma_semaphore, #tpu.memory_space<semaphore_mem>>) src(%dma_wait3A_182 : memref<4x128xi32, #tpu.memory_space<hbm>>) dst(%arg10 : memref<4x128xi32, #tpu.memory_space<vmem>>)
      tpu.yield
    }) : () -> ()
    %dma_start3A = arith.constant 0 : i32
    %dma_start3A_3 = arith.constant 0 : i32
    %dma_start3A_4 = arith.constant 0 : i32
    %dma_start3A_5 = tpu.memref_slice %arg11[%dma_start3A_3, %dma_start3A_4] : memref<512x32xf32, #tpu.memory_space<vmem>> -> memref<128x32xf32, #tpu.memory_space<vmem>>
    %dma_start3A_6 = arith.constant 0 : i32
    %dma_start3A_7 = tpu.memref_slice %arg9[%dma_start3A, %dma_start3A_6] : memref<4x128xi32, #tpu.memory_space<vmem>> -> memref<1x128xi32, #tpu.memory_space<vmem>>
    %dma_start3A_8 = tpu.memref_squeeze %dma_start3A_7 : memref<1x128xi32, #tpu.memory_space<vmem>> -> memref<128xi32, #tpu.memory_space<vmem>>
    %dma_start3A_9 = arith.constant 0 : i32
    %dma_start3A_10 = arith.constant 0 : i32
    %dma_start3A_11 = tpu.memref_slice %arg4[%dma_start3A_9, %dma_start3A_10] : memref<1000000x32xf32, #tpu.memory_space<hbm>> -> memref<1000000x32xf32, #tpu.memory_space<hbm>>
    tpu.enqueue_indirect_dma source(%dma_start3A_11 : memref<1000000x32xf32, #tpu.memory_space<hbm>>) target(%dma_start3A_5 : memref<128x32xf32, #tpu.memory_space<vmem>>) offsets(%dma_start3A_8 : memref<128xi32, #tpu.memory_space<vmem>>) semaphore(%arg16 : memref<!tpu.dma_semaphore, #tpu.memory_space<semaphore_mem>>)
    %dma_start3A_12 = arith.constant 1 : i32
    %dma_start3A_13 = arith.constant 128 : i32
    %dma_start3A_14 = arith.constant 0 : i32
    %dma_start3A_15 = tpu.memref_slice %arg11[%dma_start3A_13, %dma_start3A_14] : memref<512x32xf32, #tpu.memory_space<vmem>> -> memref<128x32xf32, #tpu.memory_space<vmem>>
    %dma_start3A_16 = arith.constant 0 : i32
    %dma_start3A_17 = tpu.memref_slice %arg9[%dma_start3A_12, %dma_start3A_16] : memref<4x128xi32, #tpu.memory_space<vmem>> -> memref<1x128xi32, #tpu.memory_space<vmem>>
    %dma_start3A_18 = tpu.memref_squeeze %dma_start3A_17 : memref<1x128xi32, #tpu.memory_space<vmem>> -> memref<128xi32, #tpu.memory_space<vmem>>
    %dma_start3A_19 = arith.constant 0 : i32
    %dma_start3A_20 = arith.constant 0 : i32
    %dma_start3A_21 = tpu.memref_slice %arg4[%dma_start3A_19, %dma_start3A_20] : memref<1000000x32xf32, #tpu.memory_space<hbm>> -> memref<1000000x32xf32, #tpu.memory_space<hbm>>
    tpu.enqueue_indirect_dma source(%dma_start3A_21 : memref<1000000x32xf32, #tpu.memory_space<hbm>>) target(%dma_start3A_15 : memref<128x32xf32, #tpu.memory_space<vmem>>) offsets(%dma_start3A_18 : memref<128xi32, #tpu.memory_space<vmem>>) semaphore(%arg16 : memref<!tpu.dma_semaphore, #tpu.memory_space<semaphore_mem>>)
    %dma_start3A_22 = arith.constant 2 : i32
    %dma_start3A_23 = arith.constant 256 : i32
    %dma_start3A_24 = arith.constant 0 : i32
    %dma_start3A_25 = tpu.memref_slice %arg11[%dma_start3A_23, %dma_start3A_24] : memref<512x32xf32, #tpu.memory_space<vmem>> -> memref<128x32xf32, #tpu.memory_space<vmem>>
    %dma_start3A_26 = arith.constant 0 : i32
    %dma_start3A_27 = tpu.memref_slice %arg9[%dma_start3A_22, %dma_start3A_26] : memref<4x128xi32, #tpu.memory_space<vmem>> -> memref<1x128xi32, #tpu.memory_space<vmem>>
    %dma_start3A_28 = tpu.memref_squeeze %dma_start3A_27 : memref<1x128xi32, #tpu.memory_space<vmem>> -> memref<128xi32, #tpu.memory_space<vmem>>
    %dma_start3A_29 = arith.constant 0 : i32
    %dma_start3A_30 = arith.constant 0 : i32
    %dma_start3A_31 = tpu.memref_slice %arg4[%dma_start3A_29, %dma_start3A_30] : memref<1000000x32xf32, #tpu.memory_space<hbm>> -> memref<1000000x32xf32, #tpu.memory_space<hbm>>
    tpu.enqueue_indirect_dma source(%dma_start3A_31 : memref<1000000x32xf32, #tpu.memory_space<hbm>>) target(%dma_start3A_25 : memref<128x32xf32, #tpu.memory_space<vmem>>) offsets(%dma_start3A_28 : memref<128xi32, #tpu.memory_space<vmem>>) semaphore(%arg16 : memref<!tpu.dma_semaphore, #tpu.memory_space<semaphore_mem>>)
    %dma_start3A_32 = arith.constant 3 : i32
    %dma_start3A_33 = arith.constant 384 : i32
    %dma_start3A_34 = arith.constant 0 : i32
    %dma_start3A_35 = tpu.memref_slice %arg11[%dma_start3A_33, %dma_start3A_34] : memref<512x32xf32, #tpu.memory_space<vmem>> -> memref<128x32xf32, #tpu.memory_space<vmem>>
    %dma_start3A_36 = arith.constant 0 : i32
    %dma_start3A_37 = tpu.memref_slice %arg9[%dma_start3A_32, %dma_start3A_36] : memref<4x128xi32, #tpu.memory_space<vmem>> -> memref<1x128xi32, #tpu.memory_space<vmem>>
    %dma_start3A_38 = tpu.memref_squeeze %dma_start3A_37 : memref<1x128xi32, #tpu.memory_space<vmem>> -> memref<128xi32, #tpu.memory_space<vmem>>
    %dma_start3A_39 = arith.constant 0 : i32
    %dma_start3A_40 = arith.constant 0 : i32
    %dma_start3A_41 = tpu.memref_slice %arg4[%dma_start3A_39, %dma_start3A_40] : memref<1000000x32xf32, #tpu.memory_space<hbm>> -> memref<1000000x32xf32, #tpu.memory_space<hbm>>
    tpu.enqueue_indirect_dma source(%dma_start3A_41 : memref<1000000x32xf32, #tpu.memory_space<hbm>>) target(%dma_start3A_35 : memref<128x32xf32, #tpu.memory_space<vmem>>) offsets(%dma_start3A_38 : memref<128xi32, #tpu.memory_space<vmem>>) semaphore(%arg16 : memref<!tpu.dma_semaphore, #tpu.memory_space<semaphore_mem>>)
    %dma_start3A_42 = arith.constant 0 : i32
    %dma_start3A_43 = arith.constant 0 : i32
    %dma_start3A_44 = arith.constant 0 : i32
    %dma_start3A_45 = tpu.memref_slice %arg12[%dma_start3A_43, %dma_start3A_44] : memref<512x32xf32, #tpu.memory_space<vmem>> -> memref<128x32xf32, #tpu.memory_space<vmem>>
    %dma_start3A_46 = arith.constant 0 : i32
    %dma_start3A_47 = tpu.memref_slice %arg10[%dma_start3A_42, %dma_start3A_46] : memref<4x128xi32, #tpu.memory_space<vmem>> -> memref<1x128xi32, #tpu.memory_space<vmem>>
    %dma_start3A_48 = tpu.memref_squeeze %dma_start3A_47 : memref<1x128xi32, #tpu.memory_space<vmem>> -> memref<128xi32, #tpu.memory_space<vmem>>
    %dma_start3A_49 = arith.constant 0 : i32
    %dma_start3A_50 = arith.constant 0 : i32
    %dma_start3A_51 = tpu.memref_slice %arg5[%dma_start3A_49, %dma_start3A_50] : memref<100000x32xf32, #tpu.memory_space<hbm>> -> memref<100000x32xf32, #tpu.memory_space<hbm>>
    tpu.enqueue_indirect_dma source(%dma_start3A_51 : memref<100000x32xf32, #tpu.memory_space<hbm>>) target(%dma_start3A_45 : memref<128x32xf32, #tpu.memory_space<vmem>>) offsets(%dma_start3A_48 : memref<128xi32, #tpu.memory_space<vmem>>) semaphore(%arg17 : memref<!tpu.dma_semaphore, #tpu.memory_space<semaphore_mem>>)
    %dma_start3A_52 = arith.constant 1 : i32
    %dma_start3A_53 = arith.constant 128 : i32
    %dma_start3A_54 = arith.constant 0 : i32
    %dma_start3A_55 = tpu.memref_slice %arg12[%dma_start3A_53, %dma_start3A_54] : memref<512x32xf32, #tpu.memory_space<vmem>> -> memref<128x32xf32, #tpu.memory_space<vmem>>
    %dma_start3A_56 = arith.constant 0 : i32
    %dma_start3A_57 = tpu.memref_slice %arg10[%dma_start3A_52, %dma_start3A_56] : memref<4x128xi32, #tpu.memory_space<vmem>> -> memref<1x128xi32, #tpu.memory_space<vmem>>
    %dma_start3A_58 = tpu.memref_squeeze %dma_start3A_57 : memref<1x128xi32, #tpu.memory_space<vmem>> -> memref<128xi32, #tpu.memory_space<vmem>>
    %dma_start3A_59 = arith.constant 0 : i32
    %dma_start3A_60 = arith.constant 0 : i32
    %dma_start3A_61 = tpu.memref_slice %arg5[%dma_start3A_59, %dma_start3A_60] : memref<100000x32xf32, #tpu.memory_space<hbm>> -> memref<100000x32xf32, #tpu.memory_space<hbm>>
    tpu.enqueue_indirect_dma source(%dma_start3A_61 : memref<100000x32xf32, #tpu.memory_space<hbm>>) target(%dma_start3A_55 : memref<128x32xf32, #tpu.memory_space<vmem>>) offsets(%dma_start3A_58 : memref<128xi32, #tpu.memory_space<vmem>>) semaphore(%arg17 : memref<!tpu.dma_semaphore, #tpu.memory_space<semaphore_mem>>)
    %dma_start3A_62 = arith.constant 2 : i32
    %dma_start3A_63 = arith.constant 256 : i32
    %dma_start3A_64 = arith.constant 0 : i32
    %dma_start3A_65 = tpu.memref_slice %arg12[%dma_start3A_63, %dma_start3A_64] : memref<512x32xf32, #tpu.memory_space<vmem>> -> memref<128x32xf32, #tpu.memory_space<vmem>>
    %dma_start3A_66 = arith.constant 0 : i32
    %dma_start3A_67 = tpu.memref_slice %arg10[%dma_start3A_62, %dma_start3A_66] : memref<4x128xi32, #tpu.memory_space<vmem>> -> memref<1x128xi32, #tpu.memory_space<vmem>>
    %dma_start3A_68 = tpu.memref_squeeze %dma_start3A_67 : memref<1x128xi32, #tpu.memory_space<vmem>> -> memref<128xi32, #tpu.memory_space<vmem>>
    %dma_start3A_69 = arith.constant 0 : i32
    %dma_start3A_70 = arith.constant 0 : i32
    %dma_start3A_71 = tpu.memref_slice %arg5[%dma_start3A_69, %dma_start3A_70] : memref<100000x32xf32, #tpu.memory_space<hbm>> -> memref<100000x32xf32, #tpu.memory_space<hbm>>
    tpu.enqueue_indirect_dma source(%dma_start3A_71 : memref<100000x32xf32, #tpu.memory_space<hbm>>) target(%dma_start3A_65 : memref<128x32xf32, #tpu.memory_space<vmem>>) offsets(%dma_start3A_68 : memref<128xi32, #tpu.memory_space<vmem>>) semaphore(%arg17 : memref<!tpu.dma_semaphore, #tpu.memory_space<semaphore_mem>>)
    %dma_start3A_72 = arith.constant 3 : i32
    %dma_start3A_73 = arith.constant 384 : i32
    %dma_start3A_74 = arith.constant 0 : i32
    %dma_start3A_75 = tpu.memref_slice %arg12[%dma_start3A_73, %dma_start3A_74] : memref<512x32xf32, #tpu.memory_space<vmem>> -> memref<128x32xf32, #tpu.memory_space<vmem>>
    %dma_start3A_76 = arith.constant 0 : i32
    %dma_start3A_77 = tpu.memref_slice %arg10[%dma_start3A_72, %dma_start3A_76] : memref<4x128xi32, #tpu.memory_space<vmem>> -> memref<1x128xi32, #tpu.memory_space<vmem>>
    %dma_start3A_78 = tpu.memref_squeeze %dma_start3A_77 : memref<1x128xi32, #tpu.memory_space<vmem>> -> memref<128xi32, #tpu.memory_space<vmem>>
    %dma_start3A_79 = arith.constant 0 : i32
    %dma_start3A_80 = arith.constant 0 : i32
    %dma_start3A_81 = tpu.memref_slice %arg5[%dma_start3A_79, %dma_start3A_80] : memref<100000x32xf32, #tpu.memory_space<hbm>> -> memref<100000x32xf32, #tpu.memory_space<hbm>>
    tpu.enqueue_indirect_dma source(%dma_start3A_81 : memref<100000x32xf32, #tpu.memory_space<hbm>>) target(%dma_start3A_75 : memref<128x32xf32, #tpu.memory_space<vmem>>) offsets(%dma_start3A_78 : memref<128xi32, #tpu.memory_space<vmem>>) semaphore(%arg17 : memref<!tpu.dma_semaphore, #tpu.memory_space<semaphore_mem>>)
    "tpu.region"() ({
      %run_scoped3A = tpu.sem_alloc : memref<!tpu.dma_semaphore, #tpu.memory_space<semaphore_mem>>
      tpu.enqueue_dma source(%arg6 : memref<32x16xf32, #tpu.memory_space<hbm>>) target(%arg13 : memref<32x16xf32, #tpu.memory_space<vmem>>) target_semaphore(%run_scoped3A : memref<!tpu.dma_semaphore, #tpu.memory_space<semaphore_mem>>)
      tpu.wait_dma2 semaphore(%run_scoped3A : memref<!tpu.dma_semaphore, #tpu.memory_space<semaphore_mem>>) src(%arg6 : memref<32x16xf32, #tpu.memory_space<hbm>>) dst(%arg13 : memref<32x16xf32, #tpu.memory_space<vmem>>)
      tpu.yield
    }) : () -> ()
    "tpu.region"() ({
      %run_scoped3A = tpu.sem_alloc : memref<!tpu.dma_semaphore, #tpu.memory_space<semaphore_mem>>
      tpu.enqueue_dma source(%arg7 : memref<16xf32, #tpu.memory_space<hbm>>) target(%arg14 : memref<16xf32, #tpu.memory_space<vmem>>) target_semaphore(%run_scoped3A : memref<!tpu.dma_semaphore, #tpu.memory_space<semaphore_mem>>)
      tpu.wait_dma2 semaphore(%run_scoped3A : memref<!tpu.dma_semaphore, #tpu.memory_space<semaphore_mem>>) src(%arg7 : memref<16xf32, #tpu.memory_space<hbm>>) dst(%arg14 : memref<16xf32, #tpu.memory_space<vmem>>)
      tpu.yield
    }) : () -> ()
    %dma_wait3A = arith.constant 0 : i32
    %dma_wait3A_82 = arith.constant 0 : i32
    %dma_wait3A_83 = arith.constant 0 : i32
    %dma_wait3A_84 = tpu.memref_slice %arg11[%dma_wait3A_82, %dma_wait3A_83] : memref<512x32xf32, #tpu.memory_space<vmem>> -> memref<128x32xf32, #tpu.memory_space<vmem>>
    %dma_wait3A_85 = arith.constant 0 : i32
    %dma_wait3A_86 = tpu.memref_slice %arg9[%dma_wait3A, %dma_wait3A_85] : memref<4x128xi32, #tpu.memory_space<vmem>> -> memref<1x128xi32, #tpu.memory_space<vmem>>
    %dma_wait3A_87 = tpu.memref_squeeze %dma_wait3A_86 : memref<1x128xi32, #tpu.memory_space<vmem>> -> memref<128xi32, #tpu.memory_space<vmem>>
    %dma_wait3A_88 = arith.constant 0 : i32
    %dma_wait3A_89 = arith.constant 0 : i32
    %dma_wait3A_90 = tpu.memref_slice %arg4[%dma_wait3A_88, %dma_wait3A_89] : memref<1000000x32xf32, #tpu.memory_space<hbm>> -> memref<1000000x32xf32, #tpu.memory_space<hbm>>
    tpu.wait_indirect_dma semaphore(%arg16 : memref<!tpu.dma_semaphore, #tpu.memory_space<semaphore_mem>>) src(%dma_wait3A_90 : memref<1000000x32xf32, #tpu.memory_space<hbm>>) dst(%dma_wait3A_84 : memref<128x32xf32, #tpu.memory_space<vmem>>)
    %dma_wait3A_91 = arith.constant 1 : i32
    %dma_wait3A_92 = arith.constant 128 : i32
    %dma_wait3A_93 = arith.constant 0 : i32
    %dma_wait3A_94 = tpu.memref_slice %arg11[%dma_wait3A_92, %dma_wait3A_93] : memref<512x32xf32, #tpu.memory_space<vmem>> -> memref<128x32xf32, #tpu.memory_space<vmem>>
    %dma_wait3A_95 = arith.constant 0 : i32
    %dma_wait3A_96 = tpu.memref_slice %arg9[%dma_wait3A_91, %dma_wait3A_95] : memref<4x128xi32, #tpu.memory_space<vmem>> -> memref<1x128xi32, #tpu.memory_space<vmem>>
    %dma_wait3A_97 = tpu.memref_squeeze %dma_wait3A_96 : memref<1x128xi32, #tpu.memory_space<vmem>> -> memref<128xi32, #tpu.memory_space<vmem>>
    %dma_wait3A_98 = arith.constant 0 : i32
    %dma_wait3A_99 = arith.constant 0 : i32
    %dma_wait3A_100 = tpu.memref_slice %arg4[%dma_wait3A_98, %dma_wait3A_99] : memref<1000000x32xf32, #tpu.memory_space<hbm>> -> memref<1000000x32xf32, #tpu.memory_space<hbm>>
    tpu.wait_indirect_dma semaphore(%arg16 : memref<!tpu.dma_semaphore, #tpu.memory_space<semaphore_mem>>) src(%dma_wait3A_100 : memref<1000000x32xf32, #tpu.memory_space<hbm>>) dst(%dma_wait3A_94 : memref<128x32xf32, #tpu.memory_space<vmem>>)
    %dma_wait3A_101 = arith.constant 2 : i32
    %dma_wait3A_102 = arith.constant 256 : i32
    %dma_wait3A_103 = arith.constant 0 : i32
    %dma_wait3A_104 = tpu.memref_slice %arg11[%dma_wait3A_102, %dma_wait3A_103] : memref<512x32xf32, #tpu.memory_space<vmem>> -> memref<128x32xf32, #tpu.memory_space<vmem>>
    %dma_wait3A_105 = arith.constant 0 : i32
    %dma_wait3A_106 = tpu.memref_slice %arg9[%dma_wait3A_101, %dma_wait3A_105] : memref<4x128xi32, #tpu.memory_space<vmem>> -> memref<1x128xi32, #tpu.memory_space<vmem>>
    %dma_wait3A_107 = tpu.memref_squeeze %dma_wait3A_106 : memref<1x128xi32, #tpu.memory_space<vmem>> -> memref<128xi32, #tpu.memory_space<vmem>>
    %dma_wait3A_108 = arith.constant 0 : i32
    %dma_wait3A_109 = arith.constant 0 : i32
    %dma_wait3A_110 = tpu.memref_slice %arg4[%dma_wait3A_108, %dma_wait3A_109] : memref<1000000x32xf32, #tpu.memory_space<hbm>> -> memref<1000000x32xf32, #tpu.memory_space<hbm>>
    tpu.wait_indirect_dma semaphore(%arg16 : memref<!tpu.dma_semaphore, #tpu.memory_space<semaphore_mem>>) src(%dma_wait3A_110 : memref<1000000x32xf32, #tpu.memory_space<hbm>>) dst(%dma_wait3A_104 : memref<128x32xf32, #tpu.memory_space<vmem>>)
    %dma_wait3A_111 = arith.constant 3 : i32
    %dma_wait3A_112 = arith.constant 384 : i32
    %dma_wait3A_113 = arith.constant 0 : i32
    %dma_wait3A_114 = tpu.memref_slice %arg11[%dma_wait3A_112, %dma_wait3A_113] : memref<512x32xf32, #tpu.memory_space<vmem>> -> memref<128x32xf32, #tpu.memory_space<vmem>>
    %dma_wait3A_115 = arith.constant 0 : i32
    %dma_wait3A_116 = tpu.memref_slice %arg9[%dma_wait3A_111, %dma_wait3A_115] : memref<4x128xi32, #tpu.memory_space<vmem>> -> memref<1x128xi32, #tpu.memory_space<vmem>>
    %dma_wait3A_117 = tpu.memref_squeeze %dma_wait3A_116 : memref<1x128xi32, #tpu.memory_space<vmem>> -> memref<128xi32, #tpu.memory_space<vmem>>
    %dma_wait3A_118 = arith.constant 0 : i32
    %dma_wait3A_119 = arith.constant 0 : i32
    %dma_wait3A_120 = tpu.memref_slice %arg4[%dma_wait3A_118, %dma_wait3A_119] : memref<1000000x32xf32, #tpu.memory_space<hbm>> -> memref<1000000x32xf32, #tpu.memory_space<hbm>>
    tpu.wait_indirect_dma semaphore(%arg16 : memref<!tpu.dma_semaphore, #tpu.memory_space<semaphore_mem>>) src(%dma_wait3A_120 : memref<1000000x32xf32, #tpu.memory_space<hbm>>) dst(%dma_wait3A_114 : memref<128x32xf32, #tpu.memory_space<vmem>>)
    %dma_wait3A_121 = arith.constant 0 : i32
    %dma_wait3A_122 = arith.constant 0 : i32
    %dma_wait3A_123 = arith.constant 0 : i32
    %dma_wait3A_124 = tpu.memref_slice %arg12[%dma_wait3A_122, %dma_wait3A_123] : memref<512x32xf32, #tpu.memory_space<vmem>> -> memref<128x32xf32, #tpu.memory_space<vmem>>
    %dma_wait3A_125 = arith.constant 0 : i32
    %dma_wait3A_126 = tpu.memref_slice %arg10[%dma_wait3A_121, %dma_wait3A_125] : memref<4x128xi32, #tpu.memory_space<vmem>> -> memref<1x128xi32, #tpu.memory_space<vmem>>
    %dma_wait3A_127 = tpu.memref_squeeze %dma_wait3A_126 : memref<1x128xi32, #tpu.memory_space<vmem>> -> memref<128xi32, #tpu.memory_space<vmem>>
    %dma_wait3A_128 = arith.constant 0 : i32
    %dma_wait3A_129 = arith.constant 0 : i32
    %dma_wait3A_130 = tpu.memref_slice %arg5[%dma_wait3A_128, %dma_wait3A_129] : memref<100000x32xf32, #tpu.memory_space<hbm>> -> memref<100000x32xf32, #tpu.memory_space<hbm>>
    tpu.wait_indirect_dma semaphore(%arg17 : memref<!tpu.dma_semaphore, #tpu.memory_space<semaphore_mem>>) src(%dma_wait3A_130 : memref<100000x32xf32, #tpu.memory_space<hbm>>) dst(%dma_wait3A_124 : memref<128x32xf32, #tpu.memory_space<vmem>>)
    %dma_wait3A_131 = arith.constant 1 : i32
    %dma_wait3A_132 = arith.constant 128 : i32
    %dma_wait3A_133 = arith.constant 0 : i32
    %dma_wait3A_134 = tpu.memref_slice %arg12[%dma_wait3A_132, %dma_wait3A_133] : memref<512x32xf32, #tpu.memory_space<vmem>> -> memref<128x32xf32, #tpu.memory_space<vmem>>
    %dma_wait3A_135 = arith.constant 0 : i32
    %dma_wait3A_136 = tpu.memref_slice %arg10[%dma_wait3A_131, %dma_wait3A_135] : memref<4x128xi32, #tpu.memory_space<vmem>> -> memref<1x128xi32, #tpu.memory_space<vmem>>
    %dma_wait3A_137 = tpu.memref_squeeze %dma_wait3A_136 : memref<1x128xi32, #tpu.memory_space<vmem>> -> memref<128xi32, #tpu.memory_space<vmem>>
    %dma_wait3A_138 = arith.constant 0 : i32
    %dma_wait3A_139 = arith.constant 0 : i32
    %dma_wait3A_140 = tpu.memref_slice %arg5[%dma_wait3A_138, %dma_wait3A_139] : memref<100000x32xf32, #tpu.memory_space<hbm>> -> memref<100000x32xf32, #tpu.memory_space<hbm>>
    tpu.wait_indirect_dma semaphore(%arg17 : memref<!tpu.dma_semaphore, #tpu.memory_space<semaphore_mem>>) src(%dma_wait3A_140 : memref<100000x32xf32, #tpu.memory_space<hbm>>) dst(%dma_wait3A_134 : memref<128x32xf32, #tpu.memory_space<vmem>>)
    %dma_wait3A_141 = arith.constant 2 : i32
    %dma_wait3A_142 = arith.constant 256 : i32
    %dma_wait3A_143 = arith.constant 0 : i32
    %dma_wait3A_144 = tpu.memref_slice %arg12[%dma_wait3A_142, %dma_wait3A_143] : memref<512x32xf32, #tpu.memory_space<vmem>> -> memref<128x32xf32, #tpu.memory_space<vmem>>
    %dma_wait3A_145 = arith.constant 0 : i32
    %dma_wait3A_146 = tpu.memref_slice %arg10[%dma_wait3A_141, %dma_wait3A_145] : memref<4x128xi32, #tpu.memory_space<vmem>> -> memref<1x128xi32, #tpu.memory_space<vmem>>
    %dma_wait3A_147 = tpu.memref_squeeze %dma_wait3A_146 : memref<1x128xi32, #tpu.memory_space<vmem>> -> memref<128xi32, #tpu.memory_space<vmem>>
    %dma_wait3A_148 = arith.constant 0 : i32
    %dma_wait3A_149 = arith.constant 0 : i32
    %dma_wait3A_150 = tpu.memref_slice %arg5[%dma_wait3A_148, %dma_wait3A_149] : memref<100000x32xf32, #tpu.memory_space<hbm>> -> memref<100000x32xf32, #tpu.memory_space<hbm>>
    tpu.wait_indirect_dma semaphore(%arg17 : memref<!tpu.dma_semaphore, #tpu.memory_space<semaphore_mem>>) src(%dma_wait3A_150 : memref<100000x32xf32, #tpu.memory_space<hbm>>) dst(%dma_wait3A_144 : memref<128x32xf32, #tpu.memory_space<vmem>>)
    %dma_wait3A_151 = arith.constant 3 : i32
    %dma_wait3A_152 = arith.constant 384 : i32
    %dma_wait3A_153 = arith.constant 0 : i32
    %dma_wait3A_154 = tpu.memref_slice %arg12[%dma_wait3A_152, %dma_wait3A_153] : memref<512x32xf32, #tpu.memory_space<vmem>> -> memref<128x32xf32, #tpu.memory_space<vmem>>
    %dma_wait3A_155 = arith.constant 0 : i32
    %dma_wait3A_156 = tpu.memref_slice %arg10[%dma_wait3A_151, %dma_wait3A_155] : memref<4x128xi32, #tpu.memory_space<vmem>> -> memref<1x128xi32, #tpu.memory_space<vmem>>
    %dma_wait3A_157 = tpu.memref_squeeze %dma_wait3A_156 : memref<1x128xi32, #tpu.memory_space<vmem>> -> memref<128xi32, #tpu.memory_space<vmem>>
    %dma_wait3A_158 = arith.constant 0 : i32
    %dma_wait3A_159 = arith.constant 0 : i32
    %dma_wait3A_160 = tpu.memref_slice %arg5[%dma_wait3A_158, %dma_wait3A_159] : memref<100000x32xf32, #tpu.memory_space<hbm>> -> memref<100000x32xf32, #tpu.memory_space<hbm>>
    tpu.wait_indirect_dma semaphore(%arg17 : memref<!tpu.dma_semaphore, #tpu.memory_space<semaphore_mem>>) src(%dma_wait3A_160 : memref<100000x32xf32, #tpu.memory_space<hbm>>) dst(%dma_wait3A_154 : memref<128x32xf32, #tpu.memory_space<vmem>>)
    %get3A = arith.constant 0 : index
    %get3A_161 = tpu.vector_load %arg14[%get3A] {strides = array<i32>} : memref<16xf32, #tpu.memory_space<vmem>>, vector<16xf32>,
    %iota3A = tpu.iota {dimensions = array<i32: 0>} : vector<16xi32>
    %scan3A = arith.constant 0 : i32
    %scan3A_162 = arith.constant 0 : i32
    %scan3A_163 = arith.constant 8 : i32
    %scan3A_164 = arith.addi %scan3A_162, %scan3A_163 : i32
    %scan3A_165 = arith.constant 1 : i32
    scf.for %scan3A_167 = %scan3A_162 to %scan3A_164 step %scan3A_165  : i32 {
      %mul3A_168 = arith.constant 64 : i32
      %mul3A_169 = arith.muli %scan3A_167, %mul3A_168 : i32
      %add3A_170 = arith.constant 0 : i32
      %add3A_171 = arith.addi %mul3A_169, %add3A_170 : i32
      %add3A_172 = vector.broadcast %add3A_171 : i32 to vector<16xi32>
      %add3A_173 = arith.addi %iota3A, %add3A_172 : vector<16xi32>
      %add3A_174 = arith.constant 16 : i32
      %add3A_175 = arith.addi %mul3A_169, %add3A_174 : i32
      %add3A_176 = vector.broadcast %add3A_175 : i32 to vector<16xi32>
      %add3A_177 = arith.addi %iota3A, %add3A_176 : vector<16xi32>
      %add3A_178 = arith.constant 32 : i32
      %add3A_179 = arith.addi %mul3A_169, %add3A_178 : i32
      %add3A_180 = vector.broadcast %add3A_179 : i32 to vector<16xi32>
      %add3A_181 = arith.addi %iota3A, %add3A_180 : vector<16xi32>
      %add3A_182 = arith.constant 48 : i32
      %add3A_183 = arith.addi %mul3A_169, %add3A_182 : i32
      %add3A_184 = vector.broadcast %add3A_183 : i32 to vector<16xi32>
      %add3A_185 = arith.addi %iota3A, %add3A_184 : vector<16xi32>
      %get3A_186 = arith.constant 0 : i32
      %get3A_187 = arith.index_cast %get3A_186 : i32 to index
      %get3A_188 = arith.constant 0 : index
      %get3A_189 = tpu.vector_load %arg13[%get3A_187, %get3A_188] {strides = array<i32>} : memref<32x16xf32, #tpu.memory_space<vmem>>, vector<16xf32>,
      %broadcast_in_dim3A = arith.constant 0 : i32
      %broadcast_in_dim3A_190 = vector.broadcast %broadcast_in_dim3A : i32 to vector<16xi32>
      %gather3A = tpu.vector_load_idx %arg11[%add3A_173, %broadcast_in_dim3A_190] : memref<512x32xf32, #tpu.memory_space<vmem>>[vector<16xi32>, vector<16xi32>], vector<16xf32>,
      %gather3A_191 = tpu.vector_load_idx %arg12[%add3A_173, %broadcast_in_dim3A_190] : memref<512x32xf32, #tpu.memory_space<vmem>>[vector<16xi32>, vector<16xi32>], vector<16xf32>,
      %mul3A_192 = arith.mulf %gather3A, %gather3A_191 : vector<16xf32>
      %mul3A_193 = arith.mulf %mul3A_192, %get3A_189 : vector<16xf32>
      %add3A_194 = arith.addf %get3A_161, %mul3A_193 : vector<16xf32>
      %gather3A_195 = tpu.vector_load_idx %arg11[%add3A_177, %broadcast_in_dim3A_190] : memref<512x32xf32, #tpu.memory_space<vmem>>[vector<16xi32>, vector<16xi32>], vector<16xf32>,
      %gather3A_196 = tpu.vector_load_idx %arg12[%add3A_177, %broadcast_in_dim3A_190] : memref<512x32xf32, #tpu.memory_space<vmem>>[vector<16xi32>, vector<16xi32>], vector<16xf32>,
      %mul3A_197 = arith.mulf %gather3A_195, %gather3A_196 : vector<16xf32>
      %mul3A_198 = arith.mulf %mul3A_197, %get3A_189 : vector<16xf32>
      %add3A_199 = arith.addf %get3A_161, %mul3A_198 : vector<16xf32>
      %gather3A_200 = tpu.vector_load_idx %arg11[%add3A_181, %broadcast_in_dim3A_190] : memref<512x32xf32, #tpu.memory_space<vmem>>[vector<16xi32>, vector<16xi32>], vector<16xf32>,
      %gather3A_201 = tpu.vector_load_idx %arg12[%add3A_181, %broadcast_in_dim3A_190] : memref<512x32xf32, #tpu.memory_space<vmem>>[vector<16xi32>, vector<16xi32>], vector<16xf32>,
      %mul3A_202 = arith.mulf %gather3A_200, %gather3A_201 : vector<16xf32>
      %mul3A_203 = arith.mulf %mul3A_202, %get3A_189 : vector<16xf32>
      %add3A_204 = arith.addf %get3A_161, %mul3A_203 : vector<16xf32>
      %gather3A_205 = tpu.vector_load_idx %arg11[%add3A_185, %broadcast_in_dim3A_190] : memref<512x32xf32, #tpu.memory_space<vmem>>[vector<16xi32>, vector<16xi32>], vector<16xf32>,
      %gather3A_206 = tpu.vector_load_idx %arg12[%add3A_185, %broadcast_in_dim3A_190] : memref<512x32xf32, #tpu.memory_space<vmem>>[vector<16xi32>, vector<16xi32>], vector<16xf32>,
      %mul3A_207 = arith.mulf %gather3A_205, %gather3A_206 : vector<16xf32>
      %mul3A_208 = arith.mulf %mul3A_207, %get3A_189 : vector<16xf32>
      %add3A_209 = arith.addf %get3A_161, %mul3A_208 : vector<16xf32>
      %get3A_210 = arith.constant 1 : i32
      %get3A_211 = arith.index_cast %get3A_210 : i32 to index
      %get3A_212 = arith.constant 0 : index
      %get3A_213 = tpu.vector_load %arg13[%get3A_211, %get3A_212] {strides = array<i32>} : memref<32x16xf32, #tpu.memory_space<vmem>>, vector<16xf32>,
      %broadcast_in_dim3A_214 = arith.constant 1 : i32
      %broadcast_in_dim3A_215 = vector.broadcast %broadcast_in_dim3A_214 : i32 to vector<16xi32>
      %gather3A_216 = tpu.vector_load_idx %arg11[%add3A_173, %broadcast_in_dim3A_215] : memref<512x32xf32, #tpu.memory_space<vmem>>[vector<16xi32>, vector<16xi32>], vector<16xf32>,
      %gather3A_217 = tpu.vector_load_idx %arg12[%add3A_173, %broadcast_in_dim3A_215] : memref<512x32xf32, #tpu.memory_space<vmem>>[vector<16xi32>, vector<16xi32>], vector<16xf32>,
      %mul3A_218 = arith.mulf %gather3A_216, %gather3A_217 : vector<16xf32>
      %mul3A_219 = arith.mulf %mul3A_218, %get3A_213 : vector<16xf32>
      %add3A_220 = arith.addf %add3A_194, %mul3A_219 : vector<16xf32>
      %gather3A_221 = tpu.vector_load_idx %arg11[%add3A_177, %broadcast_in_dim3A_215] : memref<512x32xf32, #tpu.memory_space<vmem>>[vector<16xi32>, vector<16xi32>], vector<16xf32>,
      %gather3A_222 = tpu.vector_load_idx %arg12[%add3A_177, %broadcast_in_dim3A_215] : memref<512x32xf32, #tpu.memory_space<vmem>>[vector<16xi32>, vector<16xi32>], vector<16xf32>,
      %mul3A_223 = arith.mulf %gather3A_221, %gather3A_222 : vector<16xf32>
      %mul3A_224 = arith.mulf %mul3A_223, %get3A_213 : vector<16xf32>
      %add3A_225 = arith.addf %add3A_199, %mul3A_224 : vector<16xf32>
      %gather3A_226 = tpu.vector_load_idx %arg11[%add3A_181, %broadcast_in_dim3A_215] : memref<512x32xf32, #tpu.memory_space<vmem>>[vector<16xi32>, vector<16xi32>], vector<16xf32>,
      %gather3A_227 = tpu.vector_load_idx %arg12[%add3A_181, %broadcast_in_dim3A_215] : memref<512x32xf32, #tpu.memory_space<vmem>>[vector<16xi32>, vector<16xi32>], vector<16xf32>,
      %mul3A_228 = arith.mulf %gather3A_226, %gather3A_227 : vector<16xf32>
      %mul3A_229 = arith.mulf %mul3A_228, %get3A_213 : vector<16xf32>
      %add3A_230 = arith.addf %add3A_204, %mul3A_229 : vector<16xf32>
      %gather3A_231 = tpu.vector_load_idx %arg11[%add3A_185, %broadcast_in_dim3A_215] : memref<512x32xf32, #tpu.memory_space<vmem>>[vector<16xi32>, vector<16xi32>], vector<16xf32>,
      %gather3A_232 = tpu.vector_load_idx %arg12[%add3A_185, %broadcast_in_dim3A_215] : memref<512x32xf32, #tpu.memory_space<vmem>>[vector<16xi32>, vector<16xi32>], vector<16xf32>,
      %mul3A_233 = arith.mulf %gather3A_231, %gather3A_232 : vector<16xf32>
      %mul3A_234 = arith.mulf %mul3A_233, %get3A_213 : vector<16xf32>
      %add3A_235 = arith.addf %add3A_209, %mul3A_234 : vector<16xf32>
      %get3A_236 = arith.constant 2 : i32
      %get3A_237 = arith.index_cast %get3A_236 : i32 to index
      %get3A_238 = arith.constant 0 : index
      %get3A_239 = tpu.vector_load %arg13[%get3A_237, %get3A_238] {strides = array<i32>} : memref<32x16xf32, #tpu.memory_space<vmem>>, vector<16xf32>,
      %broadcast_in_dim3A_240 = arith.constant 2 : i32
      %broadcast_in_dim3A_241 = vector.broadcast %broadcast_in_dim3A_240 : i32 to vector<16xi32>
      %gather3A_242 = tpu.vector_load_idx %arg11[%add3A_173, %broadcast_in_dim3A_241] : memref<512x32xf32, #tpu.memory_space<vmem>>[vector<16xi32>, vector<16xi32>], vector<16xf32>,
      %gather3A_243 = tpu.vector_load_idx %arg12[%add3A_173, %broadcast_in_dim3A_241] : memref<512x32xf32, #tpu.memory_space<vmem>>[vector<16xi32>, vector<16xi32>], vector<16xf32>,
      %mul3A_244 = arith.mulf %gather3A_242, %gather3A_243 : vector<16xf32>
      %mul3A_245 = arith.mulf %mul3A_244, %get3A_239 : vector<16xf32>
      %add3A_246 = arith.addf %add3A_220, %mul3A_245 : vector<16xf32>
      %gather3A_247 = tpu.vector_load_idx %arg11[%add3A_177, %broadcast_in_dim3A_241] : memref<512x32xf32, #tpu.memory_space<vmem>>[vector<16xi32>, vector<16xi32>], vector<16xf32>,
      %gather3A_248 = tpu.vector_load_idx %arg12[%add3A_177, %broadcast_in_dim3A_241] : memref<512x32xf32, #tpu.memory_space<vmem>>[vector<16xi32>, vector<16xi32>], vector<16xf32>,
      %mul3A_249 = arith.mulf %gather3A_247, %gather3A_248 : vector<16xf32>
      %mul3A_250 = arith.mulf %mul3A_249, %get3A_239 : vector<16xf32>
      %add3A_251 = arith.addf %add3A_225, %mul3A_250 : vector<16xf32>
      %gather3A_252 = tpu.vector_load_idx %arg11[%add3A_181, %broadcast_in_dim3A_241] : memref<512x32xf32, #tpu.memory_space<vmem>>[vector<16xi32>, vector<16xi32>], vector<16xf32>,
      %gather3A_253 = tpu.vector_load_idx %arg12[%add3A_181, %broadcast_in_dim3A_241] : memref<512x32xf32, #tpu.memory_space<vmem>>[vector<16xi32>, vector<16xi32>], vector<16xf32>,
      %mul3A_254 = arith.mulf %gather3A_252, %gather3A_253 : vector<16xf32>
      %mul3A_255 = arith.mulf %mul3A_254, %get3A_239 : vector<16xf32>
      %add3A_256 = arith.addf %add3A_230, %mul3A_255 : vector<16xf32>
      %gather3A_257 = tpu.vector_load_idx %arg11[%add3A_185, %broadcast_in_dim3A_241] : memref<512x32xf32, #tpu.memory_space<vmem>>[vector<16xi32>, vector<16xi32>], vector<16xf32>,
      %gather3A_258 = tpu.vector_load_idx %arg12[%add3A_185, %broadcast_in_dim3A_241] : memref<512x32xf32, #tpu.memory_space<vmem>>[vector<16xi32>, vector<16xi32>], vector<16xf32>,
      %mul3A_259 = arith.mulf %gather3A_257, %gather3A_258 : vector<16xf32>
      %mul3A_260 = arith.mulf %mul3A_259, %get3A_239 : vector<16xf32>
      %add3A_261 = arith.addf %add3A_235, %mul3A_260 : vector<16xf32>
      %get3A_262 = arith.constant 3 : i32
      %get3A_263 = arith.index_cast %get3A_262 : i32 to index
      %get3A_264 = arith.constant 0 : index
      %get3A_265 = tpu.vector_load %arg13[%get3A_263, %get3A_264] {strides = array<i32>} : memref<32x16xf32, #tpu.memory_space<vmem>>, vector<16xf32>,
      %broadcast_in_dim3A_266 = arith.constant 3 : i32
      %broadcast_in_dim3A_267 = vector.broadcast %broadcast_in_dim3A_266 : i32 to vector<16xi32>
      %gather3A_268 = tpu.vector_load_idx %arg11[%add3A_173, %broadcast_in_dim3A_267] : memref<512x32xf32, #tpu.memory_space<vmem>>[vector<16xi32>, vector<16xi32>], vector<16xf32>,
      %gather3A_269 = tpu.vector_load_idx %arg12[%add3A_173, %broadcast_in_dim3A_267] : memref<512x32xf32, #tpu.memory_space<vmem>>[vector<16xi32>, vector<16xi32>], vector<16xf32>,
      %mul3A_270 = arith.mulf %gather3A_268, %gather3A_269 : vector<16xf32>
      %mul3A_271 = arith.mulf %mul3A_270, %get3A_265 : vector<16xf32>
      %add3A_272 = arith.addf %add3A_246, %mul3A_271 : vector<16xf32>
      %gather3A_273 = tpu.vector_load_idx %arg11[%add3A_177, %broadcast_in_dim3A_267] : memref<512x32xf32, #tpu.memory_space<vmem>>[vector<16xi32>, vector<16xi32>], vector<16xf32>,
      %gather3A_274 = tpu.vector_load_idx %arg12[%add3A_177, %broadcast_in_dim3A_267] : memref<512x32xf32, #tpu.memory_space<vmem>>[vector<16xi32>, vector<16xi32>], vector<16xf32>,
      %mul3A_275 = arith.mulf %gather3A_273, %gather3A_274 : vector<16xf32>
      %mul3A_276 = arith.mulf %mul3A_275, %get3A_265 : vector<16xf32>
      %add3A_277 = arith.addf %add3A_251, %mul3A_276 : vector<16xf32>
      %gather3A_278 = tpu.vector_load_idx %arg11[%add3A_181, %broadcast_in_dim3A_267] : memref<512x32xf32, #tpu.memory_space<vmem>>[vector<16xi32>, vector<16xi32>], vector<16xf32>,
      %gather3A_279 = tpu.vector_load_idx %arg12[%add3A_181, %broadcast_in_dim3A_267] : memref<512x32xf32, #tpu.memory_space<vmem>>[vector<16xi32>, vector<16xi32>], vector<16xf32>,
      %mul3A_280 = arith.mulf %gather3A_278, %gather3A_279 : vector<16xf32>
      %mul3A_281 = arith.mulf %mul3A_280, %get3A_265 : vector<16xf32>
      %add3A_282 = arith.addf %add3A_256, %mul3A_281 : vector<16xf32>
      %gather3A_283 = tpu.vector_load_idx %arg11[%add3A_185, %broadcast_in_dim3A_267] : memref<512x32xf32, #tpu.memory_space<vmem>>[vector<16xi32>, vector<16xi32>], vector<16xf32>,
      %gather3A_284 = tpu.vector_load_idx %arg12[%add3A_185, %broadcast_in_dim3A_267] : memref<512x32xf32, #tpu.memory_space<vmem>>[vector<16xi32>, vector<16xi32>], vector<16xf32>,
      %mul3A_285 = arith.mulf %gather3A_283, %gather3A_284 : vector<16xf32>
      %mul3A_286 = arith.mulf %mul3A_285, %get3A_265 : vector<16xf32>
      %add3A_287 = arith.addf %add3A_261, %mul3A_286 : vector<16xf32>
      %get3A_288 = arith.constant 4 : i32
      %get3A_289 = arith.index_cast %get3A_288 : i32 to index
      %get3A_290 = arith.constant 0 : index
      %get3A_291 = tpu.vector_load %arg13[%get3A_289, %get3A_290] {strides = array<i32>} : memref<32x16xf32, #tpu.memory_space<vmem>>, vector<16xf32>,
      %broadcast_in_dim3A_292 = arith.constant 4 : i32
      %broadcast_in_dim3A_293 = vector.broadcast %broadcast_in_dim3A_292 : i32 to vector<16xi32>
      %gather3A_294 = tpu.vector_load_idx %arg11[%add3A_173, %broadcast_in_dim3A_293] : memref<512x32xf32, #tpu.memory_space<vmem>>[vector<16xi32>, vector<16xi32>], vector<16xf32>,
      %gather3A_295 = tpu.vector_load_idx %arg12[%add3A_173, %broadcast_in_dim3A_293] : memref<512x32xf32, #tpu.memory_space<vmem>>[vector<16xi32>, vector<16xi32>], vector<16xf32>,
      %mul3A_296 = arith.mulf %gather3A_294, %gather3A_295 : vector<16xf32>
      %mul3A_297 = arith.mulf %mul3A_296, %get3A_291 : vector<16xf32>
      %add3A_298 = arith.addf %add3A_272, %mul3A_297 : vector<16xf32>
      %gather3A_299 = tpu.vector_load_idx %arg11[%add3A_177, %broadcast_in_dim3A_293] : memref<512x32xf32, #tpu.memory_space<vmem>>[vector<16xi32>, vector<16xi32>], vector<16xf32>,
      %gather3A_300 = tpu.vector_load_idx %arg12[%add3A_177, %broadcast_in_dim3A_293] : memref<512x32xf32, #tpu.memory_space<vmem>>[vector<16xi32>, vector<16xi32>], vector<16xf32>,
      %mul3A_301 = arith.mulf %gather3A_299, %gather3A_300 : vector<16xf32>
      %mul3A_302 = arith.mulf %mul3A_301, %get3A_291 : vector<16xf32>
      %add3A_303 = arith.addf %add3A_277, %mul3A_302 : vector<16xf32>
      %gather3A_304 = tpu.vector_load_idx %arg11[%add3A_181, %broadcast_in_dim3A_293] : memref<512x32xf32, #tpu.memory_space<vmem>>[vector<16xi32>, vector<16xi32>], vector<16xf32>,
      %gather3A_305 = tpu.vector_load_idx %arg12[%add3A_181, %broadcast_in_dim3A_293] : memref<512x32xf32, #tpu.memory_space<vmem>>[vector<16xi32>, vector<16xi32>], vector<16xf32>,
      %mul3A_306 = arith.mulf %gather3A_304, %gather3A_305 : vector<16xf32>
      %mul3A_307 = arith.mulf %mul3A_306, %get3A_291 : vector<16xf32>
      %add3A_308 = arith.addf %add3A_282, %mul3A_307 : vector<16xf32>
      %gather3A_309 = tpu.vector_load_idx %arg11[%add3A_185, %broadcast_in_dim3A_293] : memref<512x32xf32, #tpu.memory_space<vmem>>[vector<16xi32>, vector<16xi32>], vector<16xf32>,
      %gather3A_310 = tpu.vector_load_idx %arg12[%add3A_185, %broadcast_in_dim3A_293] : memref<512x32xf32, #tpu.memory_space<vmem>>[vector<16xi32>, vector<16xi32>], vector<16xf32>,
      %mul3A_311 = arith.mulf %gather3A_309, %gather3A_310 : vector<16xf32>
      %mul3A_312 = arith.mulf %mul3A_311, %get3A_291 : vector<16xf32>
      %add3A_313 = arith.addf %add3A_287, %mul3A_312 : vector<16xf32>
      %get3A_314 = arith.constant 5 : i32
      %get3A_315 = arith.index_cast %get3A_314 : i32 to index
      %get3A_316 = arith.constant 0 : index
      %get3A_317 = tpu.vector_load %arg13[%get3A_315, %get3A_316] {strides = array<i32>} : memref<32x16xf32, #tpu.memory_space<vmem>>, vector<16xf32>,
      %broadcast_in_dim3A_318 = arith.constant 5 : i32
      %broadcast_in_dim3A_319 = vector.broadcast %broadcast_in_dim3A_318 : i32 to vector<16xi32>
      %gather3A_320 = tpu.vector_load_idx %arg11[%add3A_173, %broadcast_in_dim3A_319] : memref<512x32xf32, #tpu.memory_space<vmem>>[vector<16xi32>, vector<16xi32>], vector<16xf32>,
      %gather3A_321 = tpu.vector_load_idx %arg12[%add3A_173, %broadcast_in_dim3A_319] : memref<512x32xf32, #tpu.memory_space<vmem>>[vector<16xi32>, vector<16xi32>], vector<16xf32>,
      %mul3A_322 = arith.mulf %gather3A_320, %gather3A_321 : vector<16xf32>
      %mul3A_323 = arith.mulf %mul3A_322, %get3A_317 : vector<16xf32>
      %add3A_324 = arith.addf %add3A_298, %mul3A_323 : vector<16xf32>
      %gather3A_325 = tpu.vector_load_idx %arg11[%add3A_177, %broadcast_in_dim3A_319] : memref<512x32xf32, #tpu.memory_space<vmem>>[vector<16xi32>, vector<16xi32>], vector<16xf32>,
      %gather3A_326 = tpu.vector_load_idx %arg12[%add3A_177, %broadcast_in_dim3A_319] : memref<512x32xf32, #tpu.memory_space<vmem>>[vector<16xi32>, vector<16xi32>], vector<16xf32>,
      %mul3A_327 = arith.mulf %gather3A_325, %gather3A_326 : vector<16xf32>
      %mul3A_328 = arith.mulf %mul3A_327, %get3A_317 : vector<16xf32>
      %add3A_329 = arith.addf %add3A_303, %mul3A_328 : vector<16xf32>
      %gather3A_330 = tpu.vector_load_idx %arg11[%add3A_181, %broadcast_in_dim3A_319] : memref<512x32xf32, #tpu.memory_space<vmem>>[vector<16xi32>, vector<16xi32>], vector<16xf32>,
      %gather3A_331 = tpu.vector_load_idx %arg12[%add3A_181, %broadcast_in_dim3A_319] : memref<512x32xf32, #tpu.memory_space<vmem>>[vector<16xi32>, vector<16xi32>], vector<16xf32>,
      %mul3A_332 = arith.mulf %gather3A_330, %gather3A_331 : vector<16xf32>
      %mul3A_333 = arith.mulf %mul3A_332, %get3A_317 : vector<16xf32>
      %add3A_334 = arith.addf %add3A_308, %mul3A_333 : vector<16xf32>
      %gather3A_335 = tpu.vector_load_idx %arg11[%add3A_185, %broadcast_in_dim3A_319] : memref<512x32xf32, #tpu.memory_space<vmem>>[vector<16xi32>, vector<16xi32>], vector<16xf32>,
      %gather3A_336 = tpu.vector_load_idx %arg12[%add3A_185, %broadcast_in_dim3A_319] : memref<512x32xf32, #tpu.memory_space<vmem>>[vector<16xi32>, vector<16xi32>], vector<16xf32>,
      %mul3A_337 = arith.mulf %gather3A_335, %gather3A_336 : vector<16xf32>
      %mul3A_338 = arith.mulf %mul3A_337, %get3A_317 : vector<16xf32>
      %add3A_339 = arith.addf %add3A_313, %mul3A_338 : vector<16xf32>
      %get3A_340 = arith.constant 6 : i32
      %get3A_341 = arith.index_cast %get3A_340 : i32 to index
      %get3A_342 = arith.constant 0 : index
      %get3A_343 = tpu.vector_load %arg13[%get3A_341, %get3A_342] {strides = array<i32>} : memref<32x16xf32, #tpu.memory_space<vmem>>, vector<16xf32>,
      %broadcast_in_dim3A_344 = arith.constant 6 : i32
      %broadcast_in_dim3A_345 = vector.broadcast %broadcast_in_dim3A_344 : i32 to vector<16xi32>
      %gather3A_346 = tpu.vector_load_idx %arg11[%add3A_173, %broadcast_in_dim3A_345] : memref<512x32xf32, #tpu.memory_space<vmem>>[vector<16xi32>, vector<16xi32>], vector<16xf32>,
      %gather3A_347 = tpu.vector_load_idx %arg12[%add3A_173, %broadcast_in_dim3A_345] : memref<512x32xf32, #tpu.memory_space<vmem>>[vector<16xi32>, vector<16xi32>], vector<16xf32>,
      %mul3A_348 = arith.mulf %gather3A_346, %gather3A_347 : vector<16xf32>
      %mul3A_349 = arith.mulf %mul3A_348, %get3A_343 : vector<16xf32>
      %add3A_350 = arith.addf %add3A_324, %mul3A_349 : vector<16xf32>
      %gather3A_351 = tpu.vector_load_idx %arg11[%add3A_177, %broadcast_in_dim3A_345] : memref<512x32xf32, #tpu.memory_space<vmem>>[vector<16xi32>, vector<16xi32>], vector<16xf32>,
      %gather3A_352 = tpu.vector_load_idx %arg12[%add3A_177, %broadcast_in_dim3A_345] : memref<512x32xf32, #tpu.memory_space<vmem>>[vector<16xi32>, vector<16xi32>], vector<16xf32>,
      %mul3A_353 = arith.mulf %gather3A_351, %gather3A_352 : vector<16xf32>
      %mul3A_354 = arith.mulf %mul3A_353, %get3A_343 : vector<16xf32>
      %add3A_355 = arith.addf %add3A_329, %mul3A_354 : vector<16xf32>
      %gather3A_356 = tpu.vector_load_idx %arg11[%add3A_181, %broadcast_in_dim3A_345] : memref<512x32xf32, #tpu.memory_space<vmem>>[vector<16xi32>, vector<16xi32>], vector<16xf32>,
      %gather3A_357 = tpu.vector_load_idx %arg12[%add3A_181, %broadcast_in_dim3A_345] : memref<512x32xf32, #tpu.memory_space<vmem>>[vector<16xi32>, vector<16xi32>], vector<16xf32>,
      %mul3A_358 = arith.mulf %gather3A_356, %gather3A_357 : vector<16xf32>
      %mul3A_359 = arith.mulf %mul3A_358, %get3A_343 : vector<16xf32>
      %add3A_360 = arith.addf %add3A_334, %mul3A_359 : vector<16xf32>
      %gather3A_361 = tpu.vector_load_idx %arg11[%add3A_185, %broadcast_in_dim3A_345] : memref<512x32xf32, #tpu.memory_space<vmem>>[vector<16xi32>, vector<16xi32>], vector<16xf32>,
      %gather3A_362 = tpu.vector_load_idx %arg12[%add3A_185, %broadcast_in_dim3A_345] : memref<512x32xf32, #tpu.memory_space<vmem>>[vector<16xi32>, vector<16xi32>], vector<16xf32>,
      %mul3A_363 = arith.mulf %gather3A_361, %gather3A_362 : vector<16xf32>
      %mul3A_364 = arith.mulf %mul3A_363, %get3A_343 : vector<16xf32>
      %add3A_365 = arith.addf %add3A_339, %mul3A_364 : vector<16xf32>
      %get3A_366 = arith.constant 7 : i32
      %get3A_367 = arith.index_cast %get3A_366 : i32 to index
      %get3A_368 = arith.constant 0 : index
      %get3A_369 = tpu.vector_load %arg13[%get3A_367, %get3A_368] {strides = array<i32>} : memref<32x16xf32, #tpu.memory_space<vmem>>, vector<16xf32>,
      %broadcast_in_dim3A_370 = arith.constant 7 : i32
      %broadcast_in_dim3A_371 = vector.broadcast %broadcast_in_dim3A_370 : i32 to vector<16xi32>
      %gather3A_372 = tpu.vector_load_idx %arg11[%add3A_173, %broadcast_in_dim3A_371] : memref<512x32xf32, #tpu.memory_space<vmem>>[vector<16xi32>, vector<16xi32>], vector<16xf32>,
      %gather3A_373 = tpu.vector_load_idx %arg12[%add3A_173, %broadcast_in_dim3A_371] : memref<512x32xf32, #tpu.memory_space<vmem>>[vector<16xi32>, vector<16xi32>], vector<16xf32>,
      %mul3A_374 = arith.mulf %gather3A_372, %gather3A_373 : vector<16xf32>
      %mul3A_375 = arith.mulf %mul3A_374, %get3A_369 : vector<16xf32>
      %add3A_376 = arith.addf %add3A_350, %mul3A_375 : vector<16xf32>
      %gather3A_377 = tpu.vector_load_idx %arg11[%add3A_177, %broadcast_in_dim3A_371] : memref<512x32xf32, #tpu.memory_space<vmem>>[vector<16xi32>, vector<16xi32>], vector<16xf32>,
      %gather3A_378 = tpu.vector_load_idx %arg12[%add3A_177, %broadcast_in_dim3A_371] : memref<512x32xf32, #tpu.memory_space<vmem>>[vector<16xi32>, vector<16xi32>], vector<16xf32>,
      %mul3A_379 = arith.mulf %gather3A_377, %gather3A_378 : vector<16xf32>
      %mul3A_380 = arith.mulf %mul3A_379, %get3A_369 : vector<16xf32>
      %add3A_381 = arith.addf %add3A_355, %mul3A_380 : vector<16xf32>
      %gather3A_382 = tpu.vector_load_idx %arg11[%add3A_181, %broadcast_in_dim3A_371] : memref<512x32xf32, #tpu.memory_space<vmem>>[vector<16xi32>, vector<16xi32>], vector<16xf32>,
      %gather3A_383 = tpu.vector_load_idx %arg12[%add3A_181, %broadcast_in_dim3A_371] : memref<512x32xf32, #tpu.memory_space<vmem>>[vector<16xi32>, vector<16xi32>], vector<16xf32>,
      %mul3A_384 = arith.mulf %gather3A_382, %gather3A_383 : vector<16xf32>
      %mul3A_385 = arith.mulf %mul3A_384, %get3A_369 : vector<16xf32>
      %add3A_386 = arith.addf %add3A_360, %mul3A_385 : vector<16xf32>
      %gather3A_387 = tpu.vector_load_idx %arg11[%add3A_185, %broadcast_in_dim3A_371] : memref<512x32xf32, #tpu.memory_space<vmem>>[vector<16xi32>, vector<16xi32>], vector<16xf32>,
      %gather3A_388 = tpu.vector_load_idx %arg12[%add3A_185, %broadcast_in_dim3A_371] : memref<512x32xf32, #tpu.memory_space<vmem>>[vector<16xi32>, vector<16xi32>], vector<16xf32>,
      %mul3A_389 = arith.mulf %gather3A_387, %gather3A_388 : vector<16xf32>
      %mul3A_390 = arith.mulf %mul3A_389, %get3A_369 : vector<16xf32>
      %add3A_391 = arith.addf %add3A_365, %mul3A_390 : vector<16xf32>
      %get3A_392 = arith.constant 8 : i32
      %get3A_393 = arith.index_cast %get3A_392 : i32 to index
      %get3A_394 = arith.constant 0 : index
      %get3A_395 = tpu.vector_load %arg13[%get3A_393, %get3A_394] {strides = array<i32>} : memref<32x16xf32, #tpu.memory_space<vmem>>, vector<16xf32>,
      %broadcast_in_dim3A_396 = arith.constant 8 : i32
      %broadcast_in_dim3A_397 = vector.broadcast %broadcast_in_dim3A_396 : i32 to vector<16xi32>
      %gather3A_398 = tpu.vector_load_idx %arg11[%add3A_173, %broadcast_in_dim3A_397] : memref<512x32xf32, #tpu.memory_space<vmem>>[vector<16xi32>, vector<16xi32>], vector<16xf32>,
      %gather3A_399 = tpu.vector_load_idx %arg12[%add3A_173, %broadcast_in_dim3A_397] : memref<512x32xf32, #tpu.memory_space<vmem>>[vector<16xi32>, vector<16xi32>], vector<16xf32>,
      %mul3A_400 = arith.mulf %gather3A_398, %gather3A_399 : vector<16xf32>
      %mul3A_401 = arith.mulf %mul3A_400, %get3A_395 : vector<16xf32>
      %add3A_402 = arith.addf %add3A_376, %mul3A_401 : vector<16xf32>
      %gather3A_403 = tpu.vector_load_idx %arg11[%add3A_177, %broadcast_in_dim3A_397] : memref<512x32xf32, #tpu.memory_space<vmem>>[vector<16xi32>, vector<16xi32>], vector<16xf32>,
      %gather3A_404 = tpu.vector_load_idx %arg12[%add3A_177, %broadcast_in_dim3A_397] : memref<512x32xf32, #tpu.memory_space<vmem>>[vector<16xi32>, vector<16xi32>], vector<16xf32>,
      %mul3A_405 = arith.mulf %gather3A_403, %gather3A_404 : vector<16xf32>
      %mul3A_406 = arith.mulf %mul3A_405, %get3A_395 : vector<16xf32>
      %add3A_407 = arith.addf %add3A_381, %mul3A_406 : vector<16xf32>
      %gather3A_408 = tpu.vector_load_idx %arg11[%add3A_181, %broadcast_in_dim3A_397] : memref<512x32xf32, #tpu.memory_space<vmem>>[vector<16xi32>, vector<16xi32>], vector<16xf32>,
      %gather3A_409 = tpu.vector_load_idx %arg12[%add3A_181, %broadcast_in_dim3A_397] : memref<512x32xf32, #tpu.memory_space<vmem>>[vector<16xi32>, vector<16xi32>], vector<16xf32>,
      %mul3A_410 = arith.mulf %gather3A_408, %gather3A_409 : vector<16xf32>
      %mul3A_411 = arith.mulf %mul3A_410, %get3A_395 : vector<16xf32>
      %add3A_412 = arith.addf %add3A_386, %mul3A_411 : vector<16xf32>
      %gather3A_413 = tpu.vector_load_idx %arg11[%add3A_185, %broadcast_in_dim3A_397] : memref<512x32xf32, #tpu.memory_space<vmem>>[vector<16xi32>, vector<16xi32>], vector<16xf32>,
      %gather3A_414 = tpu.vector_load_idx %arg12[%add3A_185, %broadcast_in_dim3A_397] : memref<512x32xf32, #tpu.memory_space<vmem>>[vector<16xi32>, vector<16xi32>], vector<16xf32>,
      %mul3A_415 = arith.mulf %gather3A_413, %gather3A_414 : vector<16xf32>
      %mul3A_416 = arith.mulf %mul3A_415, %get3A_395 : vector<16xf32>
      %add3A_417 = arith.addf %add3A_391, %mul3A_416 : vector<16xf32>
      %get3A_418 = arith.constant 9 : i32
      %get3A_419 = arith.index_cast %get3A_418 : i32 to index
      %get3A_420 = arith.constant 0 : index
      %get3A_421 = tpu.vector_load %arg13[%get3A_419, %get3A_420] {strides = array<i32>} : memref<32x16xf32, #tpu.memory_space<vmem>>, vector<16xf32>,
      %broadcast_in_dim3A_422 = arith.constant 9 : i32
      %broadcast_in_dim3A_423 = vector.broadcast %broadcast_in_dim3A_422 : i32 to vector<16xi32>
      %gather3A_424 = tpu.vector_load_idx %arg11[%add3A_173, %broadcast_in_dim3A_423] : memref<512x32xf32, #tpu.memory_space<vmem>>[vector<16xi32>, vector<16xi32>], vector<16xf32>,
      %gather3A_425 = tpu.vector_load_idx %arg12[%add3A_173, %broadcast_in_dim3A_423] : memref<512x32xf32, #tpu.memory_space<vmem>>[vector<16xi32>, vector<16xi32>], vector<16xf32>,
      %mul3A_426 = arith.mulf %gather3A_424, %gather3A_425 : vector<16xf32>
      %mul3A_427 = arith.mulf %mul3A_426, %get3A_421 : vector<16xf32>
      %add3A_428 = arith.addf %add3A_402, %mul3A_427 : vector<16xf32>
      %gather3A_429 = tpu.vector_load_idx %arg11[%add3A_177, %broadcast_in_dim3A_423] : memref<512x32xf32, #tpu.memory_space<vmem>>[vector<16xi32>, vector<16xi32>], vector<16xf32>,
      %gather3A_430 = tpu.vector_load_idx %arg12[%add3A_177, %broadcast_in_dim3A_423] : memref<512x32xf32, #tpu.memory_space<vmem>>[vector<16xi32>, vector<16xi32>], vector<16xf32>,
      %mul3A_431 = arith.mulf %gather3A_429, %gather3A_430 : vector<16xf32>
      %mul3A_432 = arith.mulf %mul3A_431, %get3A_421 : vector<16xf32>
      %add3A_433 = arith.addf %add3A_407, %mul3A_432 : vector<16xf32>
      %gather3A_434 = tpu.vector_load_idx %arg11[%add3A_181, %broadcast_in_dim3A_423] : memref<512x32xf32, #tpu.memory_space<vmem>>[vector<16xi32>, vector<16xi32>], vector<16xf32>,
      %gather3A_435 = tpu.vector_load_idx %arg12[%add3A_181, %broadcast_in_dim3A_423] : memref<512x32xf32, #tpu.memory_space<vmem>>[vector<16xi32>, vector<16xi32>], vector<16xf32>,
      %mul3A_436 = arith.mulf %gather3A_434, %gather3A_435 : vector<16xf32>
      %mul3A_437 = arith.mulf %mul3A_436, %get3A_421 : vector<16xf32>
      %add3A_438 = arith.addf %add3A_412, %mul3A_437 : vector<16xf32>
      %gather3A_439 = tpu.vector_load_idx %arg11[%add3A_185, %broadcast_in_dim3A_423] : memref<512x32xf32, #tpu.memory_space<vmem>>[vector<16xi32>, vector<16xi32>], vector<16xf32>,
      %gather3A_440 = tpu.vector_load_idx %arg12[%add3A_185, %broadcast_in_dim3A_423] : memref<512x32xf32, #tpu.memory_space<vmem>>[vector<16xi32>, vector<16xi32>], vector<16xf32>,
      %mul3A_441 = arith.mulf %gather3A_439, %gather3A_440 : vector<16xf32>
      %mul3A_442 = arith.mulf %mul3A_441, %get3A_421 : vector<16xf32>
      %add3A_443 = arith.addf %add3A_417, %mul3A_442 : vector<16xf32>
      %get3A_444 = arith.constant 10 : i32
      %get3A_445 = arith.index_cast %get3A_444 : i32 to index
      %get3A_446 = arith.constant 0 : index
      %get3A_447 = tpu.vector_load %arg13[%get3A_445, %get3A_446] {strides = array<i32>} : memref<32x16xf32, #tpu.memory_space<vmem>>, vector<16xf32>,
      %broadcast_in_dim3A_448 = arith.constant 10 : i32
      %broadcast_in_dim3A_449 = vector.broadcast %broadcast_in_dim3A_448 : i32 to vector<16xi32>
      %gather3A_450 = tpu.vector_load_idx %arg11[%add3A_173, %broadcast_in_dim3A_449] : memref<512x32xf32, #tpu.memory_space<vmem>>[vector<16xi32>, vector<16xi32>], vector<16xf32>,
      %gather3A_451 = tpu.vector_load_idx %arg12[%add3A_173, %broadcast_in_dim3A_449] : memref<512x32xf32, #tpu.memory_space<vmem>>[vector<16xi32>, vector<16xi32>], vector<16xf32>,
      %mul3A_452 = arith.mulf %gather3A_450, %gather3A_451 : vector<16xf32>
      %mul3A_453 = arith.mulf %mul3A_452, %get3A_447 : vector<16xf32>
      %add3A_454 = arith.addf %add3A_428, %mul3A_453 : vector<16xf32>
      %gather3A_455 = tpu.vector_load_idx %arg11[%add3A_177, %broadcast_in_dim3A_449] : memref<512x32xf32, #tpu.memory_space<vmem>>[vector<16xi32>, vector<16xi32>], vector<16xf32>,
      %gather3A_456 = tpu.vector_load_idx %arg12[%add3A_177, %broadcast_in_dim3A_449] : memref<512x32xf32, #tpu.memory_space<vmem>>[vector<16xi32>, vector<16xi32>], vector<16xf32>,
      %mul3A_457 = arith.mulf %gather3A_455, %gather3A_456 : vector<16xf32>
      %mul3A_458 = arith.mulf %mul3A_457, %get3A_447 : vector<16xf32>
      %add3A_459 = arith.addf %add3A_433, %mul3A_458 : vector<16xf32>
      %gather3A_460 = tpu.vector_load_idx %arg11[%add3A_181, %broadcast_in_dim3A_449] : memref<512x32xf32, #tpu.memory_space<vmem>>[vector<16xi32>, vector<16xi32>], vector<16xf32>,
      %gather3A_461 = tpu.vector_load_idx %arg12[%add3A_181, %broadcast_in_dim3A_449] : memref<512x32xf32, #tpu.memory_space<vmem>>[vector<16xi32>, vector<16xi32>], vector<16xf32>,
      %mul3A_462 = arith.mulf %gather3A_460, %gather3A_461 : vector<16xf32>
      %mul3A_463 = arith.mulf %mul3A_462, %get3A_447 : vector<16xf32>
      %add3A_464 = arith.addf %add3A_438, %mul3A_463 : vector<16xf32>
      %gather3A_465 = tpu.vector_load_idx %arg11[%add3A_185, %broadcast_in_dim3A_449] : memref<512x32xf32, #tpu.memory_space<vmem>>[vector<16xi32>, vector<16xi32>], vector<16xf32>,
      %gather3A_466 = tpu.vector_load_idx %arg12[%add3A_185, %broadcast_in_dim3A_449] : memref<512x32xf32, #tpu.memory_space<vmem>>[vector<16xi32>, vector<16xi32>], vector<16xf32>,
      %mul3A_467 = arith.mulf %gather3A_465, %gather3A_466 : vector<16xf32>
      %mul3A_468 = arith.mulf %mul3A_467, %get3A_447 : vector<16xf32>
      %add3A_469 = arith.addf %add3A_443, %mul3A_468 : vector<16xf32>
      %get3A_470 = arith.constant 11 : i32
      %get3A_471 = arith.index_cast %get3A_470 : i32 to index
      %get3A_472 = arith.constant 0 : index
      %get3A_473 = tpu.vector_load %arg13[%get3A_471, %get3A_472] {strides = array<i32>} : memref<32x16xf32, #tpu.memory_space<vmem>>, vector<16xf32>,
      %broadcast_in_dim3A_474 = arith.constant 11 : i32
      %broadcast_in_dim3A_475 = vector.broadcast %broadcast_in_dim3A_474 : i32 to vector<16xi32>
      %gather3A_476 = tpu.vector_load_idx %arg11[%add3A_173, %broadcast_in_dim3A_475] : memref<512x32xf32, #tpu.memory_space<vmem>>[vector<16xi32>, vector<16xi32>], vector<16xf32>,
      %gather3A_477 = tpu.vector_load_idx %arg12[%add3A_173, %broadcast_in_dim3A_475] : memref<512x32xf32, #tpu.memory_space<vmem>>[vector<16xi32>, vector<16xi32>], vector<16xf32>,
      %mul3A_478 = arith.mulf %gather3A_476, %gather3A_477 : vector<16xf32>
      %mul3A_479 = arith.mulf %mul3A_478, %get3A_473 : vector<16xf32>
      %add3A_480 = arith.addf %add3A_454, %mul3A_479 : vector<16xf32>
      %gather3A_481 = tpu.vector_load_idx %arg11[%add3A_177, %broadcast_in_dim3A_475] : memref<512x32xf32, #tpu.memory_space<vmem>>[vector<16xi32>, vector<16xi32>], vector<16xf32>,
      %gather3A_482 = tpu.vector_load_idx %arg12[%add3A_177, %broadcast_in_dim3A_475] : memref<512x32xf32, #tpu.memory_space<vmem>>[vector<16xi32>, vector<16xi32>], vector<16xf32>,
      %mul3A_483 = arith.mulf %gather3A_481, %gather3A_482 : vector<16xf32>
      %mul3A_484 = arith.mulf %mul3A_483, %get3A_473 : vector<16xf32>
      %add3A_485 = arith.addf %add3A_459, %mul3A_484 : vector<16xf32>
      %gather3A_486 = tpu.vector_load_idx %arg11[%add3A_181, %broadcast_in_dim3A_475] : memref<512x32xf32, #tpu.memory_space<vmem>>[vector<16xi32>, vector<16xi32>], vector<16xf32>,
      %gather3A_487 = tpu.vector_load_idx %arg12[%add3A_181, %broadcast_in_dim3A_475] : memref<512x32xf32, #tpu.memory_space<vmem>>[vector<16xi32>, vector<16xi32>], vector<16xf32>,
      %mul3A_488 = arith.mulf %gather3A_486, %gather3A_487 : vector<16xf32>
      %mul3A_489 = arith.mulf %mul3A_488, %get3A_473 : vector<16xf32>
      %add3A_490 = arith.addf %add3A_464, %mul3A_489 : vector<16xf32>
      %gather3A_491 = tpu.vector_load_idx %arg11[%add3A_185, %broadcast_in_dim3A_475] : memref<512x32xf32, #tpu.memory_space<vmem>>[vector<16xi32>, vector<16xi32>], vector<16xf32>,
      %gather3A_492 = tpu.vector_load_idx %arg12[%add3A_185, %broadcast_in_dim3A_475] : memref<512x32xf32, #tpu.memory_space<vmem>>[vector<16xi32>, vector<16xi32>], vector<16xf32>,
      %mul3A_493 = arith.mulf %gather3A_491, %gather3A_492 : vector<16xf32>
      %mul3A_494 = arith.mulf %mul3A_493, %get3A_473 : vector<16xf32>
      %add3A_495 = arith.addf %add3A_469, %mul3A_494 : vector<16xf32>
      %get3A_496 = arith.constant 12 : i32
      %get3A_497 = arith.index_cast %get3A_496 : i32 to index
      %get3A_498 = arith.constant 0 : index
      %get3A_499 = tpu.vector_load %arg13[%get3A_497, %get3A_498] {strides = array<i32>} : memref<32x16xf32, #tpu.memory_space<vmem>>, vector<16xf32>,
      %broadcast_in_dim3A_500 = arith.constant 12 : i32
      %broadcast_in_dim3A_501 = vector.broadcast %broadcast_in_dim3A_500 : i32 to vector<16xi32>
      %gather3A_502 = tpu.vector_load_idx %arg11[%add3A_173, %broadcast_in_dim3A_501] : memref<512x32xf32, #tpu.memory_space<vmem>>[vector<16xi32>, vector<16xi32>], vector<16xf32>,
      %gather3A_503 = tpu.vector_load_idx %arg12[%add3A_173, %broadcast_in_dim3A_501] : memref<512x32xf32, #tpu.memory_space<vmem>>[vector<16xi32>, vector<16xi32>], vector<16xf32>,
      %mul3A_504 = arith.mulf %gather3A_502, %gather3A_503 : vector<16xf32>
      %mul3A_505 = arith.mulf %mul3A_504, %get3A_499 : vector<16xf32>
      %add3A_506 = arith.addf %add3A_480, %mul3A_505 : vector<16xf32>
      %gather3A_507 = tpu.vector_load_idx %arg11[%add3A_177, %broadcast_in_dim3A_501] : memref<512x32xf32, #tpu.memory_space<vmem>>[vector<16xi32>, vector<16xi32>], vector<16xf32>,
      %gather3A_508 = tpu.vector_load_idx %arg12[%add3A_177, %broadcast_in_dim3A_501] : memref<512x32xf32, #tpu.memory_space<vmem>>[vector<16xi32>, vector<16xi32>], vector<16xf32>,
      %mul3A_509 = arith.mulf %gather3A_507, %gather3A_508 : vector<16xf32>
      %mul3A_510 = arith.mulf %mul3A_509, %get3A_499 : vector<16xf32>
      %add3A_511 = arith.addf %add3A_485, %mul3A_510 : vector<16xf32>
      %gather3A_512 = tpu.vector_load_idx %arg11[%add3A_181, %broadcast_in_dim3A_501] : memref<512x32xf32, #tpu.memory_space<vmem>>[vector<16xi32>, vector<16xi32>], vector<16xf32>,
      %gather3A_513 = tpu.vector_load_idx %arg12[%add3A_181, %broadcast_in_dim3A_501] : memref<512x32xf32, #tpu.memory_space<vmem>>[vector<16xi32>, vector<16xi32>], vector<16xf32>,
      %mul3A_514 = arith.mulf %gather3A_512, %gather3A_513 : vector<16xf32>
      %mul3A_515 = arith.mulf %mul3A_514, %get3A_499 : vector<16xf32>
      %add3A_516 = arith.addf %add3A_490, %mul3A_515 : vector<16xf32>
      %gather3A_517 = tpu.vector_load_idx %arg11[%add3A_185, %broadcast_in_dim3A_501] : memref<512x32xf32, #tpu.memory_space<vmem>>[vector<16xi32>, vector<16xi32>], vector<16xf32>,
      %gather3A_518 = tpu.vector_load_idx %arg12[%add3A_185, %broadcast_in_dim3A_501] : memref<512x32xf32, #tpu.memory_space<vmem>>[vector<16xi32>, vector<16xi32>], vector<16xf32>,
      %mul3A_519 = arith.mulf %gather3A_517, %gather3A_518 : vector<16xf32>
      %mul3A_520 = arith.mulf %mul3A_519, %get3A_499 : vector<16xf32>
      %add3A_521 = arith.addf %add3A_495, %mul3A_520 : vector<16xf32>
      %get3A_522 = arith.constant 13 : i32
      %get3A_523 = arith.index_cast %get3A_522 : i32 to index
      %get3A_524 = arith.constant 0 : index
      %get3A_525 = tpu.vector_load %arg13[%get3A_523, %get3A_524] {strides = array<i32>} : memref<32x16xf32, #tpu.memory_space<vmem>>, vector<16xf32>,
      %broadcast_in_dim3A_526 = arith.constant 13 : i32
      %broadcast_in_dim3A_527 = vector.broadcast %broadcast_in_dim3A_526 : i32 to vector<16xi32>
      %gather3A_528 = tpu.vector_load_idx %arg11[%add3A_173, %broadcast_in_dim3A_527] : memref<512x32xf32, #tpu.memory_space<vmem>>[vector<16xi32>, vector<16xi32>], vector<16xf32>,
      %gather3A_529 = tpu.vector_load_idx %arg12[%add3A_173, %broadcast_in_dim3A_527] : memref<512x32xf32, #tpu.memory_space<vmem>>[vector<16xi32>, vector<16xi32>], vector<16xf32>,
      %mul3A_530 = arith.mulf %gather3A_528, %gather3A_529 : vector<16xf32>
      %mul3A_531 = arith.mulf %mul3A_530, %get3A_525 : vector<16xf32>
      %add3A_532 = arith.addf %add3A_506, %mul3A_531 : vector<16xf32>
      %gather3A_533 = tpu.vector_load_idx %arg11[%add3A_177, %broadcast_in_dim3A_527] : memref<512x32xf32, #tpu.memory_space<vmem>>[vector<16xi32>, vector<16xi32>], vector<16xf32>,
      %gather3A_534 = tpu.vector_load_idx %arg12[%add3A_177, %broadcast_in_dim3A_527] : memref<512x32xf32, #tpu.memory_space<vmem>>[vector<16xi32>, vector<16xi32>], vector<16xf32>,
      %mul3A_535 = arith.mulf %gather3A_533, %gather3A_534 : vector<16xf32>
      %mul3A_536 = arith.mulf %mul3A_535, %get3A_525 : vector<16xf32>
      %add3A_537 = arith.addf %add3A_511, %mul3A_536 : vector<16xf32>
      %gather3A_538 = tpu.vector_load_idx %arg11[%add3A_181, %broadcast_in_dim3A_527] : memref<512x32xf32, #tpu.memory_space<vmem>>[vector<16xi32>, vector<16xi32>], vector<16xf32>,
      %gather3A_539 = tpu.vector_load_idx %arg12[%add3A_181, %broadcast_in_dim3A_527] : memref<512x32xf32, #tpu.memory_space<vmem>>[vector<16xi32>, vector<16xi32>], vector<16xf32>,
      %mul3A_540 = arith.mulf %gather3A_538, %gather3A_539 : vector<16xf32>
      %mul3A_541 = arith.mulf %mul3A_540, %get3A_525 : vector<16xf32>
      %add3A_542 = arith.addf %add3A_516, %mul3A_541 : vector<16xf32>
      %gather3A_543 = tpu.vector_load_idx %arg11[%add3A_185, %broadcast_in_dim3A_527] : memref<512x32xf32, #tpu.memory_space<vmem>>[vector<16xi32>, vector<16xi32>], vector<16xf32>,
      %gather3A_544 = tpu.vector_load_idx %arg12[%add3A_185, %broadcast_in_dim3A_527] : memref<512x32xf32, #tpu.memory_space<vmem>>[vector<16xi32>, vector<16xi32>], vector<16xf32>,
      %mul3A_545 = arith.mulf %gather3A_543, %gather3A_544 : vector<16xf32>
      %mul3A_546 = arith.mulf %mul3A_545, %get3A_525 : vector<16xf32>
      %add3A_547 = arith.addf %add3A_521, %mul3A_546 : vector<16xf32>
      %get3A_548 = arith.constant 14 : i32
      %get3A_549 = arith.index_cast %get3A_548 : i32 to index
      %get3A_550 = arith.constant 0 : index
      %get3A_551 = tpu.vector_load %arg13[%get3A_549, %get3A_550] {strides = array<i32>} : memref<32x16xf32, #tpu.memory_space<vmem>>, vector<16xf32>,
      %broadcast_in_dim3A_552 = arith.constant 14 : i32
      %broadcast_in_dim3A_553 = vector.broadcast %broadcast_in_dim3A_552 : i32 to vector<16xi32>
      %gather3A_554 = tpu.vector_load_idx %arg11[%add3A_173, %broadcast_in_dim3A_553] : memref<512x32xf32, #tpu.memory_space<vmem>>[vector<16xi32>, vector<16xi32>], vector<16xf32>,
      %gather3A_555 = tpu.vector_load_idx %arg12[%add3A_173, %broadcast_in_dim3A_553] : memref<512x32xf32, #tpu.memory_space<vmem>>[vector<16xi32>, vector<16xi32>], vector<16xf32>,
      %mul3A_556 = arith.mulf %gather3A_554, %gather3A_555 : vector<16xf32>
      %mul3A_557 = arith.mulf %mul3A_556, %get3A_551 : vector<16xf32>
      %add3A_558 = arith.addf %add3A_532, %mul3A_557 : vector<16xf32>
      %gather3A_559 = tpu.vector_load_idx %arg11[%add3A_177, %broadcast_in_dim3A_553] : memref<512x32xf32, #tpu.memory_space<vmem>>[vector<16xi32>, vector<16xi32>], vector<16xf32>,
      %gather3A_560 = tpu.vector_load_idx %arg12[%add3A_177, %broadcast_in_dim3A_553] : memref<512x32xf32, #tpu.memory_space<vmem>>[vector<16xi32>, vector<16xi32>], vector<16xf32>,
      %mul3A_561 = arith.mulf %gather3A_559, %gather3A_560 : vector<16xf32>
      %mul3A_562 = arith.mulf %mul3A_561, %get3A_551 : vector<16xf32>
      %add3A_563 = arith.addf %add3A_537, %mul3A_562 : vector<16xf32>
      %gather3A_564 = tpu.vector_load_idx %arg11[%add3A_181, %broadcast_in_dim3A_553] : memref<512x32xf32, #tpu.memory_space<vmem>>[vector<16xi32>, vector<16xi32>], vector<16xf32>,
      %gather3A_565 = tpu.vector_load_idx %arg12[%add3A_181, %broadcast_in_dim3A_553] : memref<512x32xf32, #tpu.memory_space<vmem>>[vector<16xi32>, vector<16xi32>], vector<16xf32>,
      %mul3A_566 = arith.mulf %gather3A_564, %gather3A_565 : vector<16xf32>
      %mul3A_567 = arith.mulf %mul3A_566, %get3A_551 : vector<16xf32>
      %add3A_568 = arith.addf %add3A_542, %mul3A_567 : vector<16xf32>
      %gather3A_569 = tpu.vector_load_idx %arg11[%add3A_185, %broadcast_in_dim3A_553] : memref<512x32xf32, #tpu.memory_space<vmem>>[vector<16xi32>, vector<16xi32>], vector<16xf32>,
      %gather3A_570 = tpu.vector_load_idx %arg12[%add3A_185, %broadcast_in_dim3A_553] : memref<512x32xf32, #tpu.memory_space<vmem>>[vector<16xi32>, vector<16xi32>], vector<16xf32>,
      %mul3A_571 = arith.mulf %gather3A_569, %gather3A_570 : vector<16xf32>
      %mul3A_572 = arith.mulf %mul3A_571, %get3A_551 : vector<16xf32>
      %add3A_573 = arith.addf %add3A_547, %mul3A_572 : vector<16xf32>
      %get3A_574 = arith.constant 15 : i32
      %get3A_575 = arith.index_cast %get3A_574 : i32 to index
      %get3A_576 = arith.constant 0 : index
      %get3A_577 = tpu.vector_load %arg13[%get3A_575, %get3A_576] {strides = array<i32>} : memref<32x16xf32, #tpu.memory_space<vmem>>, vector<16xf32>,
      %broadcast_in_dim3A_578 = arith.constant 15 : i32
      %broadcast_in_dim3A_579 = vector.broadcast %broadcast_in_dim3A_578 : i32 to vector<16xi32>
      %gather3A_580 = tpu.vector_load_idx %arg11[%add3A_173, %broadcast_in_dim3A_579] : memref<512x32xf32, #tpu.memory_space<vmem>>[vector<16xi32>, vector<16xi32>], vector<16xf32>,
      %gather3A_581 = tpu.vector_load_idx %arg12[%add3A_173, %broadcast_in_dim3A_579] : memref<512x32xf32, #tpu.memory_space<vmem>>[vector<16xi32>, vector<16xi32>], vector<16xf32>,
      %mul3A_582 = arith.mulf %gather3A_580, %gather3A_581 : vector<16xf32>
      %mul3A_583 = arith.mulf %mul3A_582, %get3A_577 : vector<16xf32>
      %add3A_584 = arith.addf %add3A_558, %mul3A_583 : vector<16xf32>
      %gather3A_585 = tpu.vector_load_idx %arg11[%add3A_177, %broadcast_in_dim3A_579] : memref<512x32xf32, #tpu.memory_space<vmem>>[vector<16xi32>, vector<16xi32>], vector<16xf32>,
      %gather3A_586 = tpu.vector_load_idx %arg12[%add3A_177, %broadcast_in_dim3A_579] : memref<512x32xf32, #tpu.memory_space<vmem>>[vector<16xi32>, vector<16xi32>], vector<16xf32>,
      %mul3A_587 = arith.mulf %gather3A_585, %gather3A_586 : vector<16xf32>
      %mul3A_588 = arith.mulf %mul3A_587, %get3A_577 : vector<16xf32>
      %add3A_589 = arith.addf %add3A_563, %mul3A_588 : vector<16xf32>
      %gather3A_590 = tpu.vector_load_idx %arg11[%add3A_181, %broadcast_in_dim3A_579] : memref<512x32xf32, #tpu.memory_space<vmem>>[vector<16xi32>, vector<16xi32>], vector<16xf32>,
      %gather3A_591 = tpu.vector_load_idx %arg12[%add3A_181, %broadcast_in_dim3A_579] : memref<512x32xf32, #tpu.memory_space<vmem>>[vector<16xi32>, vector<16xi32>], vector<16xf32>,
      %mul3A_592 = arith.mulf %gather3A_590, %gather3A_591 : vector<16xf32>
      %mul3A_593 = arith.mulf %mul3A_592, %get3A_577 : vector<16xf32>
      %add3A_594 = arith.addf %add3A_568, %mul3A_593 : vector<16xf32>
      %gather3A_595 = tpu.vector_load_idx %arg11[%add3A_185, %broadcast_in_dim3A_579] : memref<512x32xf32, #tpu.memory_space<vmem>>[vector<16xi32>, vector<16xi32>], vector<16xf32>,
      %gather3A_596 = tpu.vector_load_idx %arg12[%add3A_185, %broadcast_in_dim3A_579] : memref<512x32xf32, #tpu.memory_space<vmem>>[vector<16xi32>, vector<16xi32>], vector<16xf32>,
      %mul3A_597 = arith.mulf %gather3A_595, %gather3A_596 : vector<16xf32>
      %mul3A_598 = arith.mulf %mul3A_597, %get3A_577 : vector<16xf32>
      %add3A_599 = arith.addf %add3A_573, %mul3A_598 : vector<16xf32>
      %get3A_600 = arith.constant 16 : i32
      %get3A_601 = arith.index_cast %get3A_600 : i32 to index
      %get3A_602 = arith.constant 0 : index
      %get3A_603 = tpu.vector_load %arg13[%get3A_601, %get3A_602] {strides = array<i32>} : memref<32x16xf32, #tpu.memory_space<vmem>>, vector<16xf32>,
      %broadcast_in_dim3A_604 = arith.constant 16 : i32
      %broadcast_in_dim3A_605 = vector.broadcast %broadcast_in_dim3A_604 : i32 to vector<16xi32>
      %gather3A_606 = tpu.vector_load_idx %arg11[%add3A_173, %broadcast_in_dim3A_605] : memref<512x32xf32, #tpu.memory_space<vmem>>[vector<16xi32>, vector<16xi32>], vector<16xf32>,
      %gather3A_607 = tpu.vector_load_idx %arg12[%add3A_173, %broadcast_in_dim3A_605] : memref<512x32xf32, #tpu.memory_space<vmem>>[vector<16xi32>, vector<16xi32>], vector<16xf32>,
      %mul3A_608 = arith.mulf %gather3A_606, %gather3A_607 : vector<16xf32>
      %mul3A_609 = arith.mulf %mul3A_608, %get3A_603 : vector<16xf32>
      %add3A_610 = arith.addf %add3A_584, %mul3A_609 : vector<16xf32>
      %gather3A_611 = tpu.vector_load_idx %arg11[%add3A_177, %broadcast_in_dim3A_605] : memref<512x32xf32, #tpu.memory_space<vmem>>[vector<16xi32>, vector<16xi32>], vector<16xf32>,
      %gather3A_612 = tpu.vector_load_idx %arg12[%add3A_177, %broadcast_in_dim3A_605] : memref<512x32xf32, #tpu.memory_space<vmem>>[vector<16xi32>, vector<16xi32>], vector<16xf32>,
      %mul3A_613 = arith.mulf %gather3A_611, %gather3A_612 : vector<16xf32>
      %mul3A_614 = arith.mulf %mul3A_613, %get3A_603 : vector<16xf32>
      %add3A_615 = arith.addf %add3A_589, %mul3A_614 : vector<16xf32>
      %gather3A_616 = tpu.vector_load_idx %arg11[%add3A_181, %broadcast_in_dim3A_605] : memref<512x32xf32, #tpu.memory_space<vmem>>[vector<16xi32>, vector<16xi32>], vector<16xf32>,
      %gather3A_617 = tpu.vector_load_idx %arg12[%add3A_181, %broadcast_in_dim3A_605] : memref<512x32xf32, #tpu.memory_space<vmem>>[vector<16xi32>, vector<16xi32>], vector<16xf32>,
      %mul3A_618 = arith.mulf %gather3A_616, %gather3A_617 : vector<16xf32>
      %mul3A_619 = arith.mulf %mul3A_618, %get3A_603 : vector<16xf32>
      %add3A_620 = arith.addf %add3A_594, %mul3A_619 : vector<16xf32>
      %gather3A_621 = tpu.vector_load_idx %arg11[%add3A_185, %broadcast_in_dim3A_605] : memref<512x32xf32, #tpu.memory_space<vmem>>[vector<16xi32>, vector<16xi32>], vector<16xf32>,
      %gather3A_622 = tpu.vector_load_idx %arg12[%add3A_185, %broadcast_in_dim3A_605] : memref<512x32xf32, #tpu.memory_space<vmem>>[vector<16xi32>, vector<16xi32>], vector<16xf32>,
      %mul3A_623 = arith.mulf %gather3A_621, %gather3A_622 : vector<16xf32>
      %mul3A_624 = arith.mulf %mul3A_623, %get3A_603 : vector<16xf32>
      %add3A_625 = arith.addf %add3A_599, %mul3A_624 : vector<16xf32>
      %get3A_626 = arith.constant 17 : i32
      %get3A_627 = arith.index_cast %get3A_626 : i32 to index
      %get3A_628 = arith.constant 0 : index
      %get3A_629 = tpu.vector_load %arg13[%get3A_627, %get3A_628] {strides = array<i32>} : memref<32x16xf32, #tpu.memory_space<vmem>>, vector<16xf32>,
      %broadcast_in_dim3A_630 = arith.constant 17 : i32
      %broadcast_in_dim3A_631 = vector.broadcast %broadcast_in_dim3A_630 : i32 to vector<16xi32>
      %gather3A_632 = tpu.vector_load_idx %arg11[%add3A_173, %broadcast_in_dim3A_631] : memref<512x32xf32, #tpu.memory_space<vmem>>[vector<16xi32>, vector<16xi32>], vector<16xf32>,
      %gather3A_633 = tpu.vector_load_idx %arg12[%add3A_173, %broadcast_in_dim3A_631] : memref<512x32xf32, #tpu.memory_space<vmem>>[vector<16xi32>, vector<16xi32>], vector<16xf32>,
      %mul3A_634 = arith.mulf %gather3A_632, %gather3A_633 : vector<16xf32>
      %mul3A_635 = arith.mulf %mul3A_634, %get3A_629 : vector<16xf32>
      %add3A_636 = arith.addf %add3A_610, %mul3A_635 : vector<16xf32>
      %gather3A_637 = tpu.vector_load_idx %arg11[%add3A_177, %broadcast_in_dim3A_631] : memref<512x32xf32, #tpu.memory_space<vmem>>[vector<16xi32>, vector<16xi32>], vector<16xf32>,
      %gather3A_638 = tpu.vector_load_idx %arg12[%add3A_177, %broadcast_in_dim3A_631] : memref<512x32xf32, #tpu.memory_space<vmem>>[vector<16xi32>, vector<16xi32>], vector<16xf32>,
      %mul3A_639 = arith.mulf %gather3A_637, %gather3A_638 : vector<16xf32>
      %mul3A_640 = arith.mulf %mul3A_639, %get3A_629 : vector<16xf32>
      %add3A_641 = arith.addf %add3A_615, %mul3A_640 : vector<16xf32>
      %gather3A_642 = tpu.vector_load_idx %arg11[%add3A_181, %broadcast_in_dim3A_631] : memref<512x32xf32, #tpu.memory_space<vmem>>[vector<16xi32>, vector<16xi32>], vector<16xf32>,
      %gather3A_643 = tpu.vector_load_idx %arg12[%add3A_181, %broadcast_in_dim3A_631] : memref<512x32xf32, #tpu.memory_space<vmem>>[vector<16xi32>, vector<16xi32>], vector<16xf32>,
      %mul3A_644 = arith.mulf %gather3A_642, %gather3A_643 : vector<16xf32>
      %mul3A_645 = arith.mulf %mul3A_644, %get3A_629 : vector<16xf32>
      %add3A_646 = arith.addf %add3A_620, %mul3A_645 : vector<16xf32>
      %gather3A_647 = tpu.vector_load_idx %arg11[%add3A_185, %broadcast_in_dim3A_631] : memref<512x32xf32, #tpu.memory_space<vmem>>[vector<16xi32>, vector<16xi32>], vector<16xf32>,
      %gather3A_648 = tpu.vector_load_idx %arg12[%add3A_185, %broadcast_in_dim3A_631] : memref<512x32xf32, #tpu.memory_space<vmem>>[vector<16xi32>, vector<16xi32>], vector<16xf32>,
      %mul3A_649 = arith.mulf %gather3A_647, %gather3A_648 : vector<16xf32>
      %mul3A_650 = arith.mulf %mul3A_649, %get3A_629 : vector<16xf32>
      %add3A_651 = arith.addf %add3A_625, %mul3A_650 : vector<16xf32>
      %get3A_652 = arith.constant 18 : i32
      %get3A_653 = arith.index_cast %get3A_652 : i32 to index
      %get3A_654 = arith.constant 0 : index
      %get3A_655 = tpu.vector_load %arg13[%get3A_653, %get3A_654] {strides = array<i32>} : memref<32x16xf32, #tpu.memory_space<vmem>>, vector<16xf32>,
      %broadcast_in_dim3A_656 = arith.constant 18 : i32
      %broadcast_in_dim3A_657 = vector.broadcast %broadcast_in_dim3A_656 : i32 to vector<16xi32>
      %gather3A_658 = tpu.vector_load_idx %arg11[%add3A_173, %broadcast_in_dim3A_657] : memref<512x32xf32, #tpu.memory_space<vmem>>[vector<16xi32>, vector<16xi32>], vector<16xf32>,
      %gather3A_659 = tpu.vector_load_idx %arg12[%add3A_173, %broadcast_in_dim3A_657] : memref<512x32xf32, #tpu.memory_space<vmem>>[vector<16xi32>, vector<16xi32>], vector<16xf32>,
      %mul3A_660 = arith.mulf %gather3A_658, %gather3A_659 : vector<16xf32>
      %mul3A_661 = arith.mulf %mul3A_660, %get3A_655 : vector<16xf32>
      %add3A_662 = arith.addf %add3A_636, %mul3A_661 : vector<16xf32>
      %gather3A_663 = tpu.vector_load_idx %arg11[%add3A_177, %broadcast_in_dim3A_657] : memref<512x32xf32, #tpu.memory_space<vmem>>[vector<16xi32>, vector<16xi32>], vector<16xf32>,
      %gather3A_664 = tpu.vector_load_idx %arg12[%add3A_177, %broadcast_in_dim3A_657] : memref<512x32xf32, #tpu.memory_space<vmem>>[vector<16xi32>, vector<16xi32>], vector<16xf32>,
      %mul3A_665 = arith.mulf %gather3A_663, %gather3A_664 : vector<16xf32>
      %mul3A_666 = arith.mulf %mul3A_665, %get3A_655 : vector<16xf32>
      %add3A_667 = arith.addf %add3A_641, %mul3A_666 : vector<16xf32>
      %gather3A_668 = tpu.vector_load_idx %arg11[%add3A_181, %broadcast_in_dim3A_657] : memref<512x32xf32, #tpu.memory_space<vmem>>[vector<16xi32>, vector<16xi32>], vector<16xf32>,
      %gather3A_669 = tpu.vector_load_idx %arg12[%add3A_181, %broadcast_in_dim3A_657] : memref<512x32xf32, #tpu.memory_space<vmem>>[vector<16xi32>, vector<16xi32>], vector<16xf32>,
      %mul3A_670 = arith.mulf %gather3A_668, %gather3A_669 : vector<16xf32>
      %mul3A_671 = arith.mulf %mul3A_670, %get3A_655 : vector<16xf32>
      %add3A_672 = arith.addf %add3A_646, %mul3A_671 : vector<16xf32>
      %gather3A_673 = tpu.vector_load_idx %arg11[%add3A_185, %broadcast_in_dim3A_657] : memref<512x32xf32, #tpu.memory_space<vmem>>[vector<16xi32>, vector<16xi32>], vector<16xf32>,
      %gather3A_674 = tpu.vector_load_idx %arg12[%add3A_185, %broadcast_in_dim3A_657] : memref<512x32xf32, #tpu.memory_space<vmem>>[vector<16xi32>, vector<16xi32>], vector<16xf32>,
      %mul3A_675 = arith.mulf %gather3A_673, %gather3A_674 : vector<16xf32>
      %mul3A_676 = arith.mulf %mul3A_675, %get3A_655 : vector<16xf32>
      %add3A_677 = arith.addf %add3A_651, %mul3A_676 : vector<16xf32>
      %get3A_678 = arith.constant 19 : i32
      %get3A_679 = arith.index_cast %get3A_678 : i32 to index
      %get3A_680 = arith.constant 0 : index
      %get3A_681 = tpu.vector_load %arg13[%get3A_679, %get3A_680] {strides = array<i32>} : memref<32x16xf32, #tpu.memory_space<vmem>>, vector<16xf32>,
      %broadcast_in_dim3A_682 = arith.constant 19 : i32
      %broadcast_in_dim3A_683 = vector.broadcast %broadcast_in_dim3A_682 : i32 to vector<16xi32>
      %gather3A_684 = tpu.vector_load_idx %arg11[%add3A_173, %broadcast_in_dim3A_683] : memref<512x32xf32, #tpu.memory_space<vmem>>[vector<16xi32>, vector<16xi32>], vector<16xf32>,
      %gather3A_685 = tpu.vector_load_idx %arg12[%add3A_173, %broadcast_in_dim3A_683] : memref<512x32xf32, #tpu.memory_space<vmem>>[vector<16xi32>, vector<16xi32>], vector<16xf32>,
      %mul3A_686 = arith.mulf %gather3A_684, %gather3A_685 : vector<16xf32>
      %mul3A_687 = arith.mulf %mul3A_686, %get3A_681 : vector<16xf32>
      %add3A_688 = arith.addf %add3A_662, %mul3A_687 : vector<16xf32>
      %gather3A_689 = tpu.vector_load_idx %arg11[%add3A_177, %broadcast_in_dim3A_683] : memref<512x32xf32, #tpu.memory_space<vmem>>[vector<16xi32>, vector<16xi32>], vector<16xf32>,
      %gather3A_690 = tpu.vector_load_idx %arg12[%add3A_177, %broadcast_in_dim3A_683] : memref<512x32xf32, #tpu.memory_space<vmem>>[vector<16xi32>, vector<16xi32>], vector<16xf32>,
      %mul3A_691 = arith.mulf %gather3A_689, %gather3A_690 : vector<16xf32>
      %mul3A_692 = arith.mulf %mul3A_691, %get3A_681 : vector<16xf32>
      %add3A_693 = arith.addf %add3A_667, %mul3A_692 : vector<16xf32>
      %gather3A_694 = tpu.vector_load_idx %arg11[%add3A_181, %broadcast_in_dim3A_683] : memref<512x32xf32, #tpu.memory_space<vmem>>[vector<16xi32>, vector<16xi32>], vector<16xf32>,
      %gather3A_695 = tpu.vector_load_idx %arg12[%add3A_181, %broadcast_in_dim3A_683] : memref<512x32xf32, #tpu.memory_space<vmem>>[vector<16xi32>, vector<16xi32>], vector<16xf32>,
      %mul3A_696 = arith.mulf %gather3A_694, %gather3A_695 : vector<16xf32>
      %mul3A_697 = arith.mulf %mul3A_696, %get3A_681 : vector<16xf32>
      %add3A_698 = arith.addf %add3A_672, %mul3A_697 : vector<16xf32>
      %gather3A_699 = tpu.vector_load_idx %arg11[%add3A_185, %broadcast_in_dim3A_683] : memref<512x32xf32, #tpu.memory_space<vmem>>[vector<16xi32>, vector<16xi32>], vector<16xf32>,
      %gather3A_700 = tpu.vector_load_idx %arg12[%add3A_185, %broadcast_in_dim3A_683] : memref<512x32xf32, #tpu.memory_space<vmem>>[vector<16xi32>, vector<16xi32>], vector<16xf32>,
      %mul3A_701 = arith.mulf %gather3A_699, %gather3A_700 : vector<16xf32>
      %mul3A_702 = arith.mulf %mul3A_701, %get3A_681 : vector<16xf32>
      %add3A_703 = arith.addf %add3A_677, %mul3A_702 : vector<16xf32>
      %get3A_704 = arith.constant 20 : i32
      %get3A_705 = arith.index_cast %get3A_704 : i32 to index
      %get3A_706 = arith.constant 0 : index
      %get3A_707 = tpu.vector_load %arg13[%get3A_705, %get3A_706] {strides = array<i32>} : memref<32x16xf32, #tpu.memory_space<vmem>>, vector<16xf32>,
      %broadcast_in_dim3A_708 = arith.constant 20 : i32
      %broadcast_in_dim3A_709 = vector.broadcast %broadcast_in_dim3A_708 : i32 to vector<16xi32>
      %gather3A_710 = tpu.vector_load_idx %arg11[%add3A_173, %broadcast_in_dim3A_709] : memref<512x32xf32, #tpu.memory_space<vmem>>[vector<16xi32>, vector<16xi32>], vector<16xf32>,
      %gather3A_711 = tpu.vector_load_idx %arg12[%add3A_173, %broadcast_in_dim3A_709] : memref<512x32xf32, #tpu.memory_space<vmem>>[vector<16xi32>, vector<16xi32>], vector<16xf32>,
      %mul3A_712 = arith.mulf %gather3A_710, %gather3A_711 : vector<16xf32>
      %mul3A_713 = arith.mulf %mul3A_712, %get3A_707 : vector<16xf32>
      %add3A_714 = arith.addf %add3A_688, %mul3A_713 : vector<16xf32>
      %gather3A_715 = tpu.vector_load_idx %arg11[%add3A_177, %broadcast_in_dim3A_709] : memref<512x32xf32, #tpu.memory_space<vmem>>[vector<16xi32>, vector<16xi32>], vector<16xf32>,
      %gather3A_716 = tpu.vector_load_idx %arg12[%add3A_177, %broadcast_in_dim3A_709] : memref<512x32xf32, #tpu.memory_space<vmem>>[vector<16xi32>, vector<16xi32>], vector<16xf32>,
      %mul3A_717 = arith.mulf %gather3A_715, %gather3A_716 : vector<16xf32>
      %mul3A_718 = arith.mulf %mul3A_717, %get3A_707 : vector<16xf32>
      %add3A_719 = arith.addf %add3A_693, %mul3A_718 : vector<16xf32>
      %gather3A_720 = tpu.vector_load_idx %arg11[%add3A_181, %broadcast_in_dim3A_709] : memref<512x32xf32, #tpu.memory_space<vmem>>[vector<16xi32>, vector<16xi32>], vector<16xf32>,
      %gather3A_721 = tpu.vector_load_idx %arg12[%add3A_181, %broadcast_in_dim3A_709] : memref<512x32xf32, #tpu.memory_space<vmem>>[vector<16xi32>, vector<16xi32>], vector<16xf32>,
      %mul3A_722 = arith.mulf %gather3A_720, %gather3A_721 : vector<16xf32>
      %mul3A_723 = arith.mulf %mul3A_722, %get3A_707 : vector<16xf32>
      %add3A_724 = arith.addf %add3A_698, %mul3A_723 : vector<16xf32>
      %gather3A_725 = tpu.vector_load_idx %arg11[%add3A_185, %broadcast_in_dim3A_709] : memref<512x32xf32, #tpu.memory_space<vmem>>[vector<16xi32>, vector<16xi32>], vector<16xf32>,
      %gather3A_726 = tpu.vector_load_idx %arg12[%add3A_185, %broadcast_in_dim3A_709] : memref<512x32xf32, #tpu.memory_space<vmem>>[vector<16xi32>, vector<16xi32>], vector<16xf32>,
      %mul3A_727 = arith.mulf %gather3A_725, %gather3A_726 : vector<16xf32>
      %mul3A_728 = arith.mulf %mul3A_727, %get3A_707 : vector<16xf32>
      %add3A_729 = arith.addf %add3A_703, %mul3A_728 : vector<16xf32>
      %get3A_730 = arith.constant 21 : i32
      %get3A_731 = arith.index_cast %get3A_730 : i32 to index
      %get3A_732 = arith.constant 0 : index
      %get3A_733 = tpu.vector_load %arg13[%get3A_731, %get3A_732] {strides = array<i32>} : memref<32x16xf32, #tpu.memory_space<vmem>>, vector<16xf32>,
      %broadcast_in_dim3A_734 = arith.constant 21 : i32
      %broadcast_in_dim3A_735 = vector.broadcast %broadcast_in_dim3A_734 : i32 to vector<16xi32>
      %gather3A_736 = tpu.vector_load_idx %arg11[%add3A_173, %broadcast_in_dim3A_735] : memref<512x32xf32, #tpu.memory_space<vmem>>[vector<16xi32>, vector<16xi32>], vector<16xf32>,
      %gather3A_737 = tpu.vector_load_idx %arg12[%add3A_173, %broadcast_in_dim3A_735] : memref<512x32xf32, #tpu.memory_space<vmem>>[vector<16xi32>, vector<16xi32>], vector<16xf32>,
      %mul3A_738 = arith.mulf %gather3A_736, %gather3A_737 : vector<16xf32>
      %mul3A_739 = arith.mulf %mul3A_738, %get3A_733 : vector<16xf32>
      %add3A_740 = arith.addf %add3A_714, %mul3A_739 : vector<16xf32>
      %gather3A_741 = tpu.vector_load_idx %arg11[%add3A_177, %broadcast_in_dim3A_735] : memref<512x32xf32, #tpu.memory_space<vmem>>[vector<16xi32>, vector<16xi32>], vector<16xf32>,
      %gather3A_742 = tpu.vector_load_idx %arg12[%add3A_177, %broadcast_in_dim3A_735] : memref<512x32xf32, #tpu.memory_space<vmem>>[vector<16xi32>, vector<16xi32>], vector<16xf32>,
      %mul3A_743 = arith.mulf %gather3A_741, %gather3A_742 : vector<16xf32>
      %mul3A_744 = arith.mulf %mul3A_743, %get3A_733 : vector<16xf32>
      %add3A_745 = arith.addf %add3A_719, %mul3A_744 : vector<16xf32>
      %gather3A_746 = tpu.vector_load_idx %arg11[%add3A_181, %broadcast_in_dim3A_735] : memref<512x32xf32, #tpu.memory_space<vmem>>[vector<16xi32>, vector<16xi32>], vector<16xf32>,
      %gather3A_747 = tpu.vector_load_idx %arg12[%add3A_181, %broadcast_in_dim3A_735] : memref<512x32xf32, #tpu.memory_space<vmem>>[vector<16xi32>, vector<16xi32>], vector<16xf32>,
      %mul3A_748 = arith.mulf %gather3A_746, %gather3A_747 : vector<16xf32>
      %mul3A_749 = arith.mulf %mul3A_748, %get3A_733 : vector<16xf32>
      %add3A_750 = arith.addf %add3A_724, %mul3A_749 : vector<16xf32>
      %gather3A_751 = tpu.vector_load_idx %arg11[%add3A_185, %broadcast_in_dim3A_735] : memref<512x32xf32, #tpu.memory_space<vmem>>[vector<16xi32>, vector<16xi32>], vector<16xf32>,
      %gather3A_752 = tpu.vector_load_idx %arg12[%add3A_185, %broadcast_in_dim3A_735] : memref<512x32xf32, #tpu.memory_space<vmem>>[vector<16xi32>, vector<16xi32>], vector<16xf32>,
      %mul3A_753 = arith.mulf %gather3A_751, %gather3A_752 : vector<16xf32>
      %mul3A_754 = arith.mulf %mul3A_753, %get3A_733 : vector<16xf32>
      %add3A_755 = arith.addf %add3A_729, %mul3A_754 : vector<16xf32>
      %get3A_756 = arith.constant 22 : i32
      %get3A_757 = arith.index_cast %get3A_756 : i32 to index
      %get3A_758 = arith.constant 0 : index
      %get3A_759 = tpu.vector_load %arg13[%get3A_757, %get3A_758] {strides = array<i32>} : memref<32x16xf32, #tpu.memory_space<vmem>>, vector<16xf32>,
      %broadcast_in_dim3A_760 = arith.constant 22 : i32
      %broadcast_in_dim3A_761 = vector.broadcast %broadcast_in_dim3A_760 : i32 to vector<16xi32>
      %gather3A_762 = tpu.vector_load_idx %arg11[%add3A_173, %broadcast_in_dim3A_761] : memref<512x32xf32, #tpu.memory_space<vmem>>[vector<16xi32>, vector<16xi32>], vector<16xf32>,
      %gather3A_763 = tpu.vector_load_idx %arg12[%add3A_173, %broadcast_in_dim3A_761] : memref<512x32xf32, #tpu.memory_space<vmem>>[vector<16xi32>, vector<16xi32>], vector<16xf32>,
      %mul3A_764 = arith.mulf %gather3A_762, %gather3A_763 : vector<16xf32>
      %mul3A_765 = arith.mulf %mul3A_764, %get3A_759 : vector<16xf32>
      %add3A_766 = arith.addf %add3A_740, %mul3A_765 : vector<16xf32>
      %gather3A_767 = tpu.vector_load_idx %arg11[%add3A_177, %broadcast_in_dim3A_761] : memref<512x32xf32, #tpu.memory_space<vmem>>[vector<16xi32>, vector<16xi32>], vector<16xf32>,
      %gather3A_768 = tpu.vector_load_idx %arg12[%add3A_177, %broadcast_in_dim3A_761] : memref<512x32xf32, #tpu.memory_space<vmem>>[vector<16xi32>, vector<16xi32>], vector<16xf32>,
      %mul3A_769 = arith.mulf %gather3A_767, %gather3A_768 : vector<16xf32>
      %mul3A_770 = arith.mulf %mul3A_769, %get3A_759 : vector<16xf32>
      %add3A_771 = arith.addf %add3A_745, %mul3A_770 : vector<16xf32>
      %gather3A_772 = tpu.vector_load_idx %arg11[%add3A_181, %broadcast_in_dim3A_761] : memref<512x32xf32, #tpu.memory_space<vmem>>[vector<16xi32>, vector<16xi32>], vector<16xf32>,
      %gather3A_773 = tpu.vector_load_idx %arg12[%add3A_181, %broadcast_in_dim3A_761] : memref<512x32xf32, #tpu.memory_space<vmem>>[vector<16xi32>, vector<16xi32>], vector<16xf32>,
      %mul3A_774 = arith.mulf %gather3A_772, %gather3A_773 : vector<16xf32>
      %mul3A_775 = arith.mulf %mul3A_774, %get3A_759 : vector<16xf32>
      %add3A_776 = arith.addf %add3A_750, %mul3A_775 : vector<16xf32>
      %gather3A_777 = tpu.vector_load_idx %arg11[%add3A_185, %broadcast_in_dim3A_761] : memref<512x32xf32, #tpu.memory_space<vmem>>[vector<16xi32>, vector<16xi32>], vector<16xf32>,
      %gather3A_778 = tpu.vector_load_idx %arg12[%add3A_185, %broadcast_in_dim3A_761] : memref<512x32xf32, #tpu.memory_space<vmem>>[vector<16xi32>, vector<16xi32>], vector<16xf32>,
      %mul3A_779 = arith.mulf %gather3A_777, %gather3A_778 : vector<16xf32>
      %mul3A_780 = arith.mulf %mul3A_779, %get3A_759 : vector<16xf32>
      %add3A_781 = arith.addf %add3A_755, %mul3A_780 : vector<16xf32>
      %get3A_782 = arith.constant 23 : i32
      %get3A_783 = arith.index_cast %get3A_782 : i32 to index
      %get3A_784 = arith.constant 0 : index
      %get3A_785 = tpu.vector_load %arg13[%get3A_783, %get3A_784] {strides = array<i32>} : memref<32x16xf32, #tpu.memory_space<vmem>>, vector<16xf32>,
      %broadcast_in_dim3A_786 = arith.constant 23 : i32
      %broadcast_in_dim3A_787 = vector.broadcast %broadcast_in_dim3A_786 : i32 to vector<16xi32>
      %gather3A_788 = tpu.vector_load_idx %arg11[%add3A_173, %broadcast_in_dim3A_787] : memref<512x32xf32, #tpu.memory_space<vmem>>[vector<16xi32>, vector<16xi32>], vector<16xf32>,
      %gather3A_789 = tpu.vector_load_idx %arg12[%add3A_173, %broadcast_in_dim3A_787] : memref<512x32xf32, #tpu.memory_space<vmem>>[vector<16xi32>, vector<16xi32>], vector<16xf32>,
      %mul3A_790 = arith.mulf %gather3A_788, %gather3A_789 : vector<16xf32>
      %mul3A_791 = arith.mulf %mul3A_790, %get3A_785 : vector<16xf32>
      %add3A_792 = arith.addf %add3A_766, %mul3A_791 : vector<16xf32>
      %gather3A_793 = tpu.vector_load_idx %arg11[%add3A_177, %broadcast_in_dim3A_787] : memref<512x32xf32, #tpu.memory_space<vmem>>[vector<16xi32>, vector<16xi32>], vector<16xf32>,
      %gather3A_794 = tpu.vector_load_idx %arg12[%add3A_177, %broadcast_in_dim3A_787] : memref<512x32xf32, #tpu.memory_space<vmem>>[vector<16xi32>, vector<16xi32>], vector<16xf32>,
      %mul3A_795 = arith.mulf %gather3A_793, %gather3A_794 : vector<16xf32>
      %mul3A_796 = arith.mulf %mul3A_795, %get3A_785 : vector<16xf32>
      %add3A_797 = arith.addf %add3A_771, %mul3A_796 : vector<16xf32>
      %gather3A_798 = tpu.vector_load_idx %arg11[%add3A_181, %broadcast_in_dim3A_787] : memref<512x32xf32, #tpu.memory_space<vmem>>[vector<16xi32>, vector<16xi32>], vector<16xf32>,
      %gather3A_799 = tpu.vector_load_idx %arg12[%add3A_181, %broadcast_in_dim3A_787] : memref<512x32xf32, #tpu.memory_space<vmem>>[vector<16xi32>, vector<16xi32>], vector<16xf32>,
      %mul3A_800 = arith.mulf %gather3A_798, %gather3A_799 : vector<16xf32>
      %mul3A_801 = arith.mulf %mul3A_800, %get3A_785 : vector<16xf32>
      %add3A_802 = arith.addf %add3A_776, %mul3A_801 : vector<16xf32>
      %gather3A_803 = tpu.vector_load_idx %arg11[%add3A_185, %broadcast_in_dim3A_787] : memref<512x32xf32, #tpu.memory_space<vmem>>[vector<16xi32>, vector<16xi32>], vector<16xf32>,
      %gather3A_804 = tpu.vector_load_idx %arg12[%add3A_185, %broadcast_in_dim3A_787] : memref<512x32xf32, #tpu.memory_space<vmem>>[vector<16xi32>, vector<16xi32>], vector<16xf32>,
      %mul3A_805 = arith.mulf %gather3A_803, %gather3A_804 : vector<16xf32>
      %mul3A_806 = arith.mulf %mul3A_805, %get3A_785 : vector<16xf32>
      %add3A_807 = arith.addf %add3A_781, %mul3A_806 : vector<16xf32>
      %get3A_808 = arith.constant 24 : i32
      %get3A_809 = arith.index_cast %get3A_808 : i32 to index
      %get3A_810 = arith.constant 0 : index
      %get3A_811 = tpu.vector_load %arg13[%get3A_809, %get3A_810] {strides = array<i32>} : memref<32x16xf32, #tpu.memory_space<vmem>>, vector<16xf32>,
      %broadcast_in_dim3A_812 = arith.constant 24 : i32
      %broadcast_in_dim3A_813 = vector.broadcast %broadcast_in_dim3A_812 : i32 to vector<16xi32>
      %gather3A_814 = tpu.vector_load_idx %arg11[%add3A_173, %broadcast_in_dim3A_813] : memref<512x32xf32, #tpu.memory_space<vmem>>[vector<16xi32>, vector<16xi32>], vector<16xf32>,
      %gather3A_815 = tpu.vector_load_idx %arg12[%add3A_173, %broadcast_in_dim3A_813] : memref<512x32xf32, #tpu.memory_space<vmem>>[vector<16xi32>, vector<16xi32>], vector<16xf32>,
      %mul3A_816 = arith.mulf %gather3A_814, %gather3A_815 : vector<16xf32>
      %mul3A_817 = arith.mulf %mul3A_816, %get3A_811 : vector<16xf32>
      %add3A_818 = arith.addf %add3A_792, %mul3A_817 : vector<16xf32>
      %gather3A_819 = tpu.vector_load_idx %arg11[%add3A_177, %broadcast_in_dim3A_813] : memref<512x32xf32, #tpu.memory_space<vmem>>[vector<16xi32>, vector<16xi32>], vector<16xf32>,
      %gather3A_820 = tpu.vector_load_idx %arg12[%add3A_177, %broadcast_in_dim3A_813] : memref<512x32xf32, #tpu.memory_space<vmem>>[vector<16xi32>, vector<16xi32>], vector<16xf32>,
      %mul3A_821 = arith.mulf %gather3A_819, %gather3A_820 : vector<16xf32>
      %mul3A_822 = arith.mulf %mul3A_821, %get3A_811 : vector<16xf32>
      %add3A_823 = arith.addf %add3A_797, %mul3A_822 : vector<16xf32>
      %gather3A_824 = tpu.vector_load_idx %arg11[%add3A_181, %broadcast_in_dim3A_813] : memref<512x32xf32, #tpu.memory_space<vmem>>[vector<16xi32>, vector<16xi32>], vector<16xf32>,
      %gather3A_825 = tpu.vector_load_idx %arg12[%add3A_181, %broadcast_in_dim3A_813] : memref<512x32xf32, #tpu.memory_space<vmem>>[vector<16xi32>, vector<16xi32>], vector<16xf32>,
      %mul3A_826 = arith.mulf %gather3A_824, %gather3A_825 : vector<16xf32>
      %mul3A_827 = arith.mulf %mul3A_826, %get3A_811 : vector<16xf32>
      %add3A_828 = arith.addf %add3A_802, %mul3A_827 : vector<16xf32>
      %gather3A_829 = tpu.vector_load_idx %arg11[%add3A_185, %broadcast_in_dim3A_813] : memref<512x32xf32, #tpu.memory_space<vmem>>[vector<16xi32>, vector<16xi32>], vector<16xf32>,
      %gather3A_830 = tpu.vector_load_idx %arg12[%add3A_185, %broadcast_in_dim3A_813] : memref<512x32xf32, #tpu.memory_space<vmem>>[vector<16xi32>, vector<16xi32>], vector<16xf32>,
      %mul3A_831 = arith.mulf %gather3A_829, %gather3A_830 : vector<16xf32>
      %mul3A_832 = arith.mulf %mul3A_831, %get3A_811 : vector<16xf32>
      %add3A_833 = arith.addf %add3A_807, %mul3A_832 : vector<16xf32>
      %get3A_834 = arith.constant 25 : i32
      %get3A_835 = arith.index_cast %get3A_834 : i32 to index
      %get3A_836 = arith.constant 0 : index
      %get3A_837 = tpu.vector_load %arg13[%get3A_835, %get3A_836] {strides = array<i32>} : memref<32x16xf32, #tpu.memory_space<vmem>>, vector<16xf32>,
      %broadcast_in_dim3A_838 = arith.constant 25 : i32
      %broadcast_in_dim3A_839 = vector.broadcast %broadcast_in_dim3A_838 : i32 to vector<16xi32>
      %gather3A_840 = tpu.vector_load_idx %arg11[%add3A_173, %broadcast_in_dim3A_839] : memref<512x32xf32, #tpu.memory_space<vmem>>[vector<16xi32>, vector<16xi32>], vector<16xf32>,
      %gather3A_841 = tpu.vector_load_idx %arg12[%add3A_173, %broadcast_in_dim3A_839] : memref<512x32xf32, #tpu.memory_space<vmem>>[vector<16xi32>, vector<16xi32>], vector<16xf32>,
      %mul3A_842 = arith.mulf %gather3A_840, %gather3A_841 : vector<16xf32>
      %mul3A_843 = arith.mulf %mul3A_842, %get3A_837 : vector<16xf32>
      %add3A_844 = arith.addf %add3A_818, %mul3A_843 : vector<16xf32>
      %gather3A_845 = tpu.vector_load_idx %arg11[%add3A_177, %broadcast_in_dim3A_839] : memref<512x32xf32, #tpu.memory_space<vmem>>[vector<16xi32>, vector<16xi32>], vector<16xf32>,
      %gather3A_846 = tpu.vector_load_idx %arg12[%add3A_177, %broadcast_in_dim3A_839] : memref<512x32xf32, #tpu.memory_space<vmem>>[vector<16xi32>, vector<16xi32>], vector<16xf32>,
      %mul3A_847 = arith.mulf %gather3A_845, %gather3A_846 : vector<16xf32>
      %mul3A_848 = arith.mulf %mul3A_847, %get3A_837 : vector<16xf32>
      %add3A_849 = arith.addf %add3A_823, %mul3A_848 : vector<16xf32>
      %gather3A_850 = tpu.vector_load_idx %arg11[%add3A_181, %broadcast_in_dim3A_839] : memref<512x32xf32, #tpu.memory_space<vmem>>[vector<16xi32>, vector<16xi32>], vector<16xf32>,
      %gather3A_851 = tpu.vector_load_idx %arg12[%add3A_181, %broadcast_in_dim3A_839] : memref<512x32xf32, #tpu.memory_space<vmem>>[vector<16xi32>, vector<16xi32>], vector<16xf32>,
      %mul3A_852 = arith.mulf %gather3A_850, %gather3A_851 : vector<16xf32>
      %mul3A_853 = arith.mulf %mul3A_852, %get3A_837 : vector<16xf32>
      %add3A_854 = arith.addf %add3A_828, %mul3A_853 : vector<16xf32>
      %gather3A_855 = tpu.vector_load_idx %arg11[%add3A_185, %broadcast_in_dim3A_839] : memref<512x32xf32, #tpu.memory_space<vmem>>[vector<16xi32>, vector<16xi32>], vector<16xf32>,
      %gather3A_856 = tpu.vector_load_idx %arg12[%add3A_185, %broadcast_in_dim3A_839] : memref<512x32xf32, #tpu.memory_space<vmem>>[vector<16xi32>, vector<16xi32>], vector<16xf32>,
      %mul3A_857 = arith.mulf %gather3A_855, %gather3A_856 : vector<16xf32>
      %mul3A_858 = arith.mulf %mul3A_857, %get3A_837 : vector<16xf32>
      %add3A_859 = arith.addf %add3A_833, %mul3A_858 : vector<16xf32>
      %get3A_860 = arith.constant 26 : i32
      %get3A_861 = arith.index_cast %get3A_860 : i32 to index
      %get3A_862 = arith.constant 0 : index
      %get3A_863 = tpu.vector_load %arg13[%get3A_861, %get3A_862] {strides = array<i32>} : memref<32x16xf32, #tpu.memory_space<vmem>>, vector<16xf32>,
      %broadcast_in_dim3A_864 = arith.constant 26 : i32
      %broadcast_in_dim3A_865 = vector.broadcast %broadcast_in_dim3A_864 : i32 to vector<16xi32>
      %gather3A_866 = tpu.vector_load_idx %arg11[%add3A_173, %broadcast_in_dim3A_865] : memref<512x32xf32, #tpu.memory_space<vmem>>[vector<16xi32>, vector<16xi32>], vector<16xf32>,
      %gather3A_867 = tpu.vector_load_idx %arg12[%add3A_173, %broadcast_in_dim3A_865] : memref<512x32xf32, #tpu.memory_space<vmem>>[vector<16xi32>, vector<16xi32>], vector<16xf32>,
      %mul3A_868 = arith.mulf %gather3A_866, %gather3A_867 : vector<16xf32>
      %mul3A_869 = arith.mulf %mul3A_868, %get3A_863 : vector<16xf32>
      %add3A_870 = arith.addf %add3A_844, %mul3A_869 : vector<16xf32>
      %gather3A_871 = tpu.vector_load_idx %arg11[%add3A_177, %broadcast_in_dim3A_865] : memref<512x32xf32, #tpu.memory_space<vmem>>[vector<16xi32>, vector<16xi32>], vector<16xf32>,
      %gather3A_872 = tpu.vector_load_idx %arg12[%add3A_177, %broadcast_in_dim3A_865] : memref<512x32xf32, #tpu.memory_space<vmem>>[vector<16xi32>, vector<16xi32>], vector<16xf32>,
      %mul3A_873 = arith.mulf %gather3A_871, %gather3A_872 : vector<16xf32>
      %mul3A_874 = arith.mulf %mul3A_873, %get3A_863 : vector<16xf32>
      %add3A_875 = arith.addf %add3A_849, %mul3A_874 : vector<16xf32>
      %gather3A_876 = tpu.vector_load_idx %arg11[%add3A_181, %broadcast_in_dim3A_865] : memref<512x32xf32, #tpu.memory_space<vmem>>[vector<16xi32>, vector<16xi32>], vector<16xf32>,
      %gather3A_877 = tpu.vector_load_idx %arg12[%add3A_181, %broadcast_in_dim3A_865] : memref<512x32xf32, #tpu.memory_space<vmem>>[vector<16xi32>, vector<16xi32>], vector<16xf32>,
      %mul3A_878 = arith.mulf %gather3A_876, %gather3A_877 : vector<16xf32>
      %mul3A_879 = arith.mulf %mul3A_878, %get3A_863 : vector<16xf32>
      %add3A_880 = arith.addf %add3A_854, %mul3A_879 : vector<16xf32>
      %gather3A_881 = tpu.vector_load_idx %arg11[%add3A_185, %broadcast_in_dim3A_865] : memref<512x32xf32, #tpu.memory_space<vmem>>[vector<16xi32>, vector<16xi32>], vector<16xf32>,
      %gather3A_882 = tpu.vector_load_idx %arg12[%add3A_185, %broadcast_in_dim3A_865] : memref<512x32xf32, #tpu.memory_space<vmem>>[vector<16xi32>, vector<16xi32>], vector<16xf32>,
      %mul3A_883 = arith.mulf %gather3A_881, %gather3A_882 : vector<16xf32>
      %mul3A_884 = arith.mulf %mul3A_883, %get3A_863 : vector<16xf32>
      %add3A_885 = arith.addf %add3A_859, %mul3A_884 : vector<16xf32>
      %get3A_886 = arith.constant 27 : i32
      %get3A_887 = arith.index_cast %get3A_886 : i32 to index
      %get3A_888 = arith.constant 0 : index
      %get3A_889 = tpu.vector_load %arg13[%get3A_887, %get3A_888] {strides = array<i32>} : memref<32x16xf32, #tpu.memory_space<vmem>>, vector<16xf32>,
      %broadcast_in_dim3A_890 = arith.constant 27 : i32
      %broadcast_in_dim3A_891 = vector.broadcast %broadcast_in_dim3A_890 : i32 to vector<16xi32>
      %gather3A_892 = tpu.vector_load_idx %arg11[%add3A_173, %broadcast_in_dim3A_891] : memref<512x32xf32, #tpu.memory_space<vmem>>[vector<16xi32>, vector<16xi32>], vector<16xf32>,
      %gather3A_893 = tpu.vector_load_idx %arg12[%add3A_173, %broadcast_in_dim3A_891] : memref<512x32xf32, #tpu.memory_space<vmem>>[vector<16xi32>, vector<16xi32>], vector<16xf32>,
      %mul3A_894 = arith.mulf %gather3A_892, %gather3A_893 : vector<16xf32>
      %mul3A_895 = arith.mulf %mul3A_894, %get3A_889 : vector<16xf32>
      %add3A_896 = arith.addf %add3A_870, %mul3A_895 : vector<16xf32>
      %gather3A_897 = tpu.vector_load_idx %arg11[%add3A_177, %broadcast_in_dim3A_891] : memref<512x32xf32, #tpu.memory_space<vmem>>[vector<16xi32>, vector<16xi32>], vector<16xf32>,
      %gather3A_898 = tpu.vector_load_idx %arg12[%add3A_177, %broadcast_in_dim3A_891] : memref<512x32xf32, #tpu.memory_space<vmem>>[vector<16xi32>, vector<16xi32>], vector<16xf32>,
      %mul3A_899 = arith.mulf %gather3A_897, %gather3A_898 : vector<16xf32>
      %mul3A_900 = arith.mulf %mul3A_899, %get3A_889 : vector<16xf32>
      %add3A_901 = arith.addf %add3A_875, %mul3A_900 : vector<16xf32>
      %gather3A_902 = tpu.vector_load_idx %arg11[%add3A_181, %broadcast_in_dim3A_891] : memref<512x32xf32, #tpu.memory_space<vmem>>[vector<16xi32>, vector<16xi32>], vector<16xf32>,
      %gather3A_903 = tpu.vector_load_idx %arg12[%add3A_181, %broadcast_in_dim3A_891] : memref<512x32xf32, #tpu.memory_space<vmem>>[vector<16xi32>, vector<16xi32>], vector<16xf32>,
      %mul3A_904 = arith.mulf %gather3A_902, %gather3A_903 : vector<16xf32>
      %mul3A_905 = arith.mulf %mul3A_904, %get3A_889 : vector<16xf32>
      %add3A_906 = arith.addf %add3A_880, %mul3A_905 : vector<16xf32>
      %gather3A_907 = tpu.vector_load_idx %arg11[%add3A_185, %broadcast_in_dim3A_891] : memref<512x32xf32, #tpu.memory_space<vmem>>[vector<16xi32>, vector<16xi32>], vector<16xf32>,
      %gather3A_908 = tpu.vector_load_idx %arg12[%add3A_185, %broadcast_in_dim3A_891] : memref<512x32xf32, #tpu.memory_space<vmem>>[vector<16xi32>, vector<16xi32>], vector<16xf32>,
      %mul3A_909 = arith.mulf %gather3A_907, %gather3A_908 : vector<16xf32>
      %mul3A_910 = arith.mulf %mul3A_909, %get3A_889 : vector<16xf32>
      %add3A_911 = arith.addf %add3A_885, %mul3A_910 : vector<16xf32>
      %get3A_912 = arith.constant 28 : i32
      %get3A_913 = arith.index_cast %get3A_912 : i32 to index
      %get3A_914 = arith.constant 0 : index
      %get3A_915 = tpu.vector_load %arg13[%get3A_913, %get3A_914] {strides = array<i32>} : memref<32x16xf32, #tpu.memory_space<vmem>>, vector<16xf32>,
      %broadcast_in_dim3A_916 = arith.constant 28 : i32
      %broadcast_in_dim3A_917 = vector.broadcast %broadcast_in_dim3A_916 : i32 to vector<16xi32>
      %gather3A_918 = tpu.vector_load_idx %arg11[%add3A_173, %broadcast_in_dim3A_917] : memref<512x32xf32, #tpu.memory_space<vmem>>[vector<16xi32>, vector<16xi32>], vector<16xf32>,
      %gather3A_919 = tpu.vector_load_idx %arg12[%add3A_173, %broadcast_in_dim3A_917] : memref<512x32xf32, #tpu.memory_space<vmem>>[vector<16xi32>, vector<16xi32>], vector<16xf32>,
      %mul3A_920 = arith.mulf %gather3A_918, %gather3A_919 : vector<16xf32>
      %mul3A_921 = arith.mulf %mul3A_920, %get3A_915 : vector<16xf32>
      %add3A_922 = arith.addf %add3A_896, %mul3A_921 : vector<16xf32>
      %gather3A_923 = tpu.vector_load_idx %arg11[%add3A_177, %broadcast_in_dim3A_917] : memref<512x32xf32, #tpu.memory_space<vmem>>[vector<16xi32>, vector<16xi32>], vector<16xf32>,
      %gather3A_924 = tpu.vector_load_idx %arg12[%add3A_177, %broadcast_in_dim3A_917] : memref<512x32xf32, #tpu.memory_space<vmem>>[vector<16xi32>, vector<16xi32>], vector<16xf32>,
      %mul3A_925 = arith.mulf %gather3A_923, %gather3A_924 : vector<16xf32>
      %mul3A_926 = arith.mulf %mul3A_925, %get3A_915 : vector<16xf32>
      %add3A_927 = arith.addf %add3A_901, %mul3A_926 : vector<16xf32>
      %gather3A_928 = tpu.vector_load_idx %arg11[%add3A_181, %broadcast_in_dim3A_917] : memref<512x32xf32, #tpu.memory_space<vmem>>[vector<16xi32>, vector<16xi32>], vector<16xf32>,
      %gather3A_929 = tpu.vector_load_idx %arg12[%add3A_181, %broadcast_in_dim3A_917] : memref<512x32xf32, #tpu.memory_space<vmem>>[vector<16xi32>, vector<16xi32>], vector<16xf32>,
      %mul3A_930 = arith.mulf %gather3A_928, %gather3A_929 : vector<16xf32>
      %mul3A_931 = arith.mulf %mul3A_930, %get3A_915 : vector<16xf32>
      %add3A_932 = arith.addf %add3A_906, %mul3A_931 : vector<16xf32>
      %gather3A_933 = tpu.vector_load_idx %arg11[%add3A_185, %broadcast_in_dim3A_917] : memref<512x32xf32, #tpu.memory_space<vmem>>[vector<16xi32>, vector<16xi32>], vector<16xf32>,
      %gather3A_934 = tpu.vector_load_idx %arg12[%add3A_185, %broadcast_in_dim3A_917] : memref<512x32xf32, #tpu.memory_space<vmem>>[vector<16xi32>, vector<16xi32>], vector<16xf32>,
      %mul3A_935 = arith.mulf %gather3A_933, %gather3A_934 : vector<16xf32>
      %mul3A_936 = arith.mulf %mul3A_935, %get3A_915 : vector<16xf32>
      %add3A_937 = arith.addf %add3A_911, %mul3A_936 : vector<16xf32>
      %get3A_938 = arith.constant 29 : i32
      %get3A_939 = arith.index_cast %get3A_938 : i32 to index
      %get3A_940 = arith.constant 0 : index
      %get3A_941 = tpu.vector_load %arg13[%get3A_939, %get3A_940] {strides = array<i32>} : memref<32x16xf32, #tpu.memory_space<vmem>>, vector<16xf32>,
      %broadcast_in_dim3A_942 = arith.constant 29 : i32
      %broadcast_in_dim3A_943 = vector.broadcast %broadcast_in_dim3A_942 : i32 to vector<16xi32>
      %gather3A_944 = tpu.vector_load_idx %arg11[%add3A_173, %broadcast_in_dim3A_943] : memref<512x32xf32, #tpu.memory_space<vmem>>[vector<16xi32>, vector<16xi32>], vector<16xf32>,
      %gather3A_945 = tpu.vector_load_idx %arg12[%add3A_173, %broadcast_in_dim3A_943] : memref<512x32xf32, #tpu.memory_space<vmem>>[vector<16xi32>, vector<16xi32>], vector<16xf32>,
      %mul3A_946 = arith.mulf %gather3A_944, %gather3A_945 : vector<16xf32>
      %mul3A_947 = arith.mulf %mul3A_946, %get3A_941 : vector<16xf32>
      %add3A_948 = arith.addf %add3A_922, %mul3A_947 : vector<16xf32>
      %gather3A_949 = tpu.vector_load_idx %arg11[%add3A_177, %broadcast_in_dim3A_943] : memref<512x32xf32, #tpu.memory_space<vmem>>[vector<16xi32>, vector<16xi32>], vector<16xf32>,
      %gather3A_950 = tpu.vector_load_idx %arg12[%add3A_177, %broadcast_in_dim3A_943] : memref<512x32xf32, #tpu.memory_space<vmem>>[vector<16xi32>, vector<16xi32>], vector<16xf32>,
      %mul3A_951 = arith.mulf %gather3A_949, %gather3A_950 : vector<16xf32>
      %mul3A_952 = arith.mulf %mul3A_951, %get3A_941 : vector<16xf32>
      %add3A_953 = arith.addf %add3A_927, %mul3A_952 : vector<16xf32>
      %gather3A_954 = tpu.vector_load_idx %arg11[%add3A_181, %broadcast_in_dim3A_943] : memref<512x32xf32, #tpu.memory_space<vmem>>[vector<16xi32>, vector<16xi32>], vector<16xf32>,
      %gather3A_955 = tpu.vector_load_idx %arg12[%add3A_181, %broadcast_in_dim3A_943] : memref<512x32xf32, #tpu.memory_space<vmem>>[vector<16xi32>, vector<16xi32>], vector<16xf32>,
      %mul3A_956 = arith.mulf %gather3A_954, %gather3A_955 : vector<16xf32>
      %mul3A_957 = arith.mulf %mul3A_956, %get3A_941 : vector<16xf32>
      %add3A_958 = arith.addf %add3A_932, %mul3A_957 : vector<16xf32>
      %gather3A_959 = tpu.vector_load_idx %arg11[%add3A_185, %broadcast_in_dim3A_943] : memref<512x32xf32, #tpu.memory_space<vmem>>[vector<16xi32>, vector<16xi32>], vector<16xf32>,
      %gather3A_960 = tpu.vector_load_idx %arg12[%add3A_185, %broadcast_in_dim3A_943] : memref<512x32xf32, #tpu.memory_space<vmem>>[vector<16xi32>, vector<16xi32>], vector<16xf32>,
      %mul3A_961 = arith.mulf %gather3A_959, %gather3A_960 : vector<16xf32>
      %mul3A_962 = arith.mulf %mul3A_961, %get3A_941 : vector<16xf32>
      %add3A_963 = arith.addf %add3A_937, %mul3A_962 : vector<16xf32>
      %get3A_964 = arith.constant 30 : i32
      %get3A_965 = arith.index_cast %get3A_964 : i32 to index
      %get3A_966 = arith.constant 0 : index
      %get3A_967 = tpu.vector_load %arg13[%get3A_965, %get3A_966] {strides = array<i32>} : memref<32x16xf32, #tpu.memory_space<vmem>>, vector<16xf32>,
      %broadcast_in_dim3A_968 = arith.constant 30 : i32
      %broadcast_in_dim3A_969 = vector.broadcast %broadcast_in_dim3A_968 : i32 to vector<16xi32>
      %gather3A_970 = tpu.vector_load_idx %arg11[%add3A_173, %broadcast_in_dim3A_969] : memref<512x32xf32, #tpu.memory_space<vmem>>[vector<16xi32>, vector<16xi32>], vector<16xf32>,
      %gather3A_971 = tpu.vector_load_idx %arg12[%add3A_173, %broadcast_in_dim3A_969] : memref<512x32xf32, #tpu.memory_space<vmem>>[vector<16xi32>, vector<16xi32>], vector<16xf32>,
      %mul3A_972 = arith.mulf %gather3A_970, %gather3A_971 : vector<16xf32>
      %mul3A_973 = arith.mulf %mul3A_972, %get3A_967 : vector<16xf32>
      %add3A_974 = arith.addf %add3A_948, %mul3A_973 : vector<16xf32>
      %gather3A_975 = tpu.vector_load_idx %arg11[%add3A_177, %broadcast_in_dim3A_969] : memref<512x32xf32, #tpu.memory_space<vmem>>[vector<16xi32>, vector<16xi32>], vector<16xf32>,
      %gather3A_976 = tpu.vector_load_idx %arg12[%add3A_177, %broadcast_in_dim3A_969] : memref<512x32xf32, #tpu.memory_space<vmem>>[vector<16xi32>, vector<16xi32>], vector<16xf32>,
      %mul3A_977 = arith.mulf %gather3A_975, %gather3A_976 : vector<16xf32>
      %mul3A_978 = arith.mulf %mul3A_977, %get3A_967 : vector<16xf32>
      %add3A_979 = arith.addf %add3A_953, %mul3A_978 : vector<16xf32>
      %gather3A_980 = tpu.vector_load_idx %arg11[%add3A_181, %broadcast_in_dim3A_969] : memref<512x32xf32, #tpu.memory_space<vmem>>[vector<16xi32>, vector<16xi32>], vector<16xf32>,
      %gather3A_981 = tpu.vector_load_idx %arg12[%add3A_181, %broadcast_in_dim3A_969] : memref<512x32xf32, #tpu.memory_space<vmem>>[vector<16xi32>, vector<16xi32>], vector<16xf32>,
      %mul3A_982 = arith.mulf %gather3A_980, %gather3A_981 : vector<16xf32>
      %mul3A_983 = arith.mulf %mul3A_982, %get3A_967 : vector<16xf32>
      %add3A_984 = arith.addf %add3A_958, %mul3A_983 : vector<16xf32>
      %gather3A_985 = tpu.vector_load_idx %arg11[%add3A_185, %broadcast_in_dim3A_969] : memref<512x32xf32, #tpu.memory_space<vmem>>[vector<16xi32>, vector<16xi32>], vector<16xf32>,
      %gather3A_986 = tpu.vector_load_idx %arg12[%add3A_185, %broadcast_in_dim3A_969] : memref<512x32xf32, #tpu.memory_space<vmem>>[vector<16xi32>, vector<16xi32>], vector<16xf32>,
      %mul3A_987 = arith.mulf %gather3A_985, %gather3A_986 : vector<16xf32>
      %mul3A_988 = arith.mulf %mul3A_987, %get3A_967 : vector<16xf32>
      %add3A_989 = arith.addf %add3A_963, %mul3A_988 : vector<16xf32>
      %get3A_990 = arith.constant 31 : i32
      %get3A_991 = arith.index_cast %get3A_990 : i32 to index
      %get3A_992 = arith.constant 0 : index
      %get3A_993 = tpu.vector_load %arg13[%get3A_991, %get3A_992] {strides = array<i32>} : memref<32x16xf32, #tpu.memory_space<vmem>>, vector<16xf32>,
      %broadcast_in_dim3A_994 = arith.constant 31 : i32
      %broadcast_in_dim3A_995 = vector.broadcast %broadcast_in_dim3A_994 : i32 to vector<16xi32>
      %gather3A_996 = tpu.vector_load_idx %arg11[%add3A_173, %broadcast_in_dim3A_995] : memref<512x32xf32, #tpu.memory_space<vmem>>[vector<16xi32>, vector<16xi32>], vector<16xf32>,
      %gather3A_997 = tpu.vector_load_idx %arg12[%add3A_173, %broadcast_in_dim3A_995] : memref<512x32xf32, #tpu.memory_space<vmem>>[vector<16xi32>, vector<16xi32>], vector<16xf32>,
      %mul3A_998 = arith.mulf %gather3A_996, %gather3A_997 : vector<16xf32>
      %mul3A_999 = arith.mulf %mul3A_998, %get3A_993 : vector<16xf32>
      %add3A_1000 = arith.addf %add3A_974, %mul3A_999 : vector<16xf32>
      %gather3A_1001 = tpu.vector_load_idx %arg11[%add3A_177, %broadcast_in_dim3A_995] : memref<512x32xf32, #tpu.memory_space<vmem>>[vector<16xi32>, vector<16xi32>], vector<16xf32>,
      %gather3A_1002 = tpu.vector_load_idx %arg12[%add3A_177, %broadcast_in_dim3A_995] : memref<512x32xf32, #tpu.memory_space<vmem>>[vector<16xi32>, vector<16xi32>], vector<16xf32>,
      %mul3A_1003 = arith.mulf %gather3A_1001, %gather3A_1002 : vector<16xf32>
      %mul3A_1004 = arith.mulf %mul3A_1003, %get3A_993 : vector<16xf32>
      %add3A_1005 = arith.addf %add3A_979, %mul3A_1004 : vector<16xf32>
      %gather3A_1006 = tpu.vector_load_idx %arg11[%add3A_181, %broadcast_in_dim3A_995] : memref<512x32xf32, #tpu.memory_space<vmem>>[vector<16xi32>, vector<16xi32>], vector<16xf32>,
      %gather3A_1007 = tpu.vector_load_idx %arg12[%add3A_181, %broadcast_in_dim3A_995] : memref<512x32xf32, #tpu.memory_space<vmem>>[vector<16xi32>, vector<16xi32>], vector<16xf32>,
      %mul3A_1008 = arith.mulf %gather3A_1006, %gather3A_1007 : vector<16xf32>
      %mul3A_1009 = arith.mulf %mul3A_1008, %get3A_993 : vector<16xf32>
      %add3A_1010 = arith.addf %add3A_984, %mul3A_1009 : vector<16xf32>
      %gather3A_1011 = tpu.vector_load_idx %arg11[%add3A_185, %broadcast_in_dim3A_995] : memref<512x32xf32, #tpu.memory_space<vmem>>[vector<16xi32>, vector<16xi32>], vector<16xf32>,
      %gather3A_1012 = tpu.vector_load_idx %arg12[%add3A_185, %broadcast_in_dim3A_995] : memref<512x32xf32, #tpu.memory_space<vmem>>[vector<16xi32>, vector<16xi32>], vector<16xf32>,
      %mul3A_1013 = arith.mulf %gather3A_1011, %gather3A_1012 : vector<16xf32>
      %mul3A_1014 = arith.mulf %mul3A_1013, %get3A_993 : vector<16xf32>
      %add3A_1015 = arith.addf %add3A_989, %mul3A_1014 : vector<16xf32>
      %add3A_1016 = arith.constant 0 : i32
      %add3A_1017 = arith.addi %mul3A_169, %add3A_1016 : i32
      %swap3A = arith.index_cast %add3A_1017 : i32 to index
      %swap3A_1018 = tpu.vector_load %arg15[%swap3A] {strides = array<i32>} : memref<512xf32, #tpu.memory_space<vmem>>, vector<16xf32>,
      tpu.vector_store %arg15[%swap3A], %add3A_1000 {strides = array<i32>} : memref<512xf32, #tpu.memory_space<vmem>>, vector<16xf32>,
      %add3A_1019 = arith.constant 16 : i32
      %add3A_1020 = arith.addi %mul3A_169, %add3A_1019 : i32
      %swap3A_1021 = arith.index_cast %add3A_1020 : i32 to index
      %swap3A_1022 = tpu.vector_load %arg15[%swap3A_1021] {strides = array<i32>} : memref<512xf32, #tpu.memory_space<vmem>>, vector<16xf32>,
      tpu.vector_store %arg15[%swap3A_1021], %add3A_1005 {strides = array<i32>} : memref<512xf32, #tpu.memory_space<vmem>>, vector<16xf32>,
      %add3A_1023 = arith.constant 32 : i32
      %add3A_1024 = arith.addi %mul3A_169, %add3A_1023 : i32
      %swap3A_1025 = arith.index_cast %add3A_1024 : i32 to index
      %swap3A_1026 = tpu.vector_load %arg15[%swap3A_1025] {strides = array<i32>} : memref<512xf32, #tpu.memory_space<vmem>>, vector<16xf32>,
      tpu.vector_store %arg15[%swap3A_1025], %add3A_1010 {strides = array<i32>} : memref<512xf32, #tpu.memory_space<vmem>>, vector<16xf32>,
      %add3A_1027 = arith.constant 48 : i32
      %add3A_1028 = arith.addi %mul3A_169, %add3A_1027 : i32
      %swap3A_1029 = arith.index_cast %add3A_1028 : i32 to index
      %swap3A_1030 = tpu.vector_load %arg15[%swap3A_1029] {strides = array<i32>} : memref<512xf32, #tpu.memory_space<vmem>>, vector<16xf32>,
      tpu.vector_store %arg15[%swap3A_1029], %add3A_1015 {strides = array<i32>} : memref<512xf32, #tpu.memory_space<vmem>>, vector<16xf32>,
    }
    %scan3A_166 = arith.constant 8 : i32
    "tpu.region"() ({
      %run_scoped3A = tpu.sem_alloc : memref<!tpu.dma_semaphore, #tpu.memory_space<semaphore_mem>>
      %dma_start3A_167 = tpu.memref_slice %arg8[%mul3A_2] : memref<16384xf32, #tpu.memory_space<hbm>> -> memref<512xf32, #tpu.memory_space<hbm>>
      %dma_start3A_168 = tpu.memref_slice %arg8[%mul3A_2] : memref<16384xf32, #tpu.memory_space<hbm>> -> memref<512xf32, #tpu.memory_space<hbm>>
      tpu.enqueue_dma source(%arg15 : memref<512xf32, #tpu.memory_space<vmem>>) target(%dma_start3A_168 : memref<512xf32, #tpu.memory_space<hbm>>) target_semaphore(%run_scoped3A : memref<!tpu.dma_semaphore, #tpu.memory_space<semaphore_mem>>)
      %dma_wait3A_169 = tpu.memref_slice %arg8[%mul3A_2] : memref<16384xf32, #tpu.memory_space<hbm>> -> memref<512xf32, #tpu.memory_space<hbm>>
      %dma_wait3A_170 = tpu.memref_slice %arg8[%mul3A_2] : memref<16384xf32, #tpu.memory_space<hbm>> -> memref<512xf32, #tpu.memory_space<hbm>>
      tpu.wait_dma2 semaphore(%run_scoped3A : memref<!tpu.dma_semaphore, #tpu.memory_space<semaphore_mem>>) src(%arg15 : memref<512xf32, #tpu.memory_space<vmem>>) dst(%dma_wait3A_170 : memref<512xf32, #tpu.memory_space<hbm>>)
      tpu.yield
    }) : () -> ()
    return
  }
}

</mosaic_0001>

<sc_bundles>
// kernel: kernel.3.cloned.1.call-start
scs
__scs_entry_jumppad:
0x0: {  	(pc) =	sbr.rel $0x88, $3  }
0x1: {  	(tag) =	ssettag $0x0;
	lr =	simm.s32 $0x1  }
0x2: {  	[smem:$0x3F9B] =	sst lr;
	_ =	strace $0xD0000000  }
0x3: {  	_ = 	snop  }
0x4: {  	_ = 	snop  }
0x5: {  	_ = 	snop  }
0x6: {  	_ = 	snop  }
0x7: {  	_ = 	snop  }
__scs_overlays_trampoline_lowered:
0x8: {  	[smem:$0x3FAA] =	sst s0  }
0x9: {  	[smem:$0x3FAB] =	sst s1  }
0xa: {  	[smem:$0x3FAC] =	sst s2  }
0xb: {  	[smem:$0x3FAD] =	sst s3  }
0xc: {  	[smem:$0x3FAE] =	sst s4  }
0xd: {  	[smem:$0x3FAF] =	sst s5  }
0xe: {  	[smem:$0x3FB0] =	sst s6  }
0xf: {  	[smem:$0x3FB1] =	sst s7  }
0x10: {  	[smem:$0x3FB2] =	sst s8  }
0x11: {  	[smem:$0x3FB3] =	sst s9;
	s0 =	simm.s32 @!p0 $0x0  }
0x12: {  	s1 =	sld [smem:$0x3F99];
	s0 =	simm.s32 @p0 $0x1  }
0x13: {  	[smem:$0x3FB4] =	sst s0;
	s0 =	simm.s32 @!p1 $0x0  }
0x14: {  	s2 =	sld [smem:$0x3F98];
	s0 =	simm.s32 @p1 $0x1  }
0x15: {  	[smem:$0x3FB5] =	sst s0;
	s0 =	simm.s32 @!p2 $0x0  }
0x16: {  	s3 =	sld [smem:$0x3FDB];
	s0 =	simm.s32 @p2 $0x1  }
0x17: {  	s4 =	simm.s32 $0x1BF5;
	[smem:$0x3FB7] =	sst s0  }
0x18: {  	s0 =	sld [smem:$0x3F9A];
	_ =	swait.ge [sflag:s4], $0x0  }
0x19: {  	s7 =	sld [smem:$0x3F9B]  }
0x1a: {  	s8 =	sadd.s32 $0xFFFFE003, lr  }
0x1b: {  	s9 =	sadd.s32 $0xFFFFFEF7, lr;
	s5 =	simm.s32 $0xFFFFFFFF;
	p2 =	slt.u32 s8, $0xFFFFF086  }
0x1c: {  	p1 =	slt.u32 s9, $0xF7A;
	s5 =	simm.s32 @!p2 $0x0  }
0x1d: {  	s5 =	simm.s32 @p1 $0x1;
	p0 =	seq.s32 s7, s2  }
0x1e: {  	s7 =	smul.u32 @!p0 $0xF7A, s2;
	p2 =	seq.s32 @!p0 s5, $0x0  }
0x1f: {  	s9 =	smul.u32 $0xF7A, s1;
	s8 =	simm.s32 @!p0 $0x1BF5;
	p2 =	por !p2, p0  }
0x20: {  	[sflag:s8] =	ssyncset.s32 @!p0 $0xFFFFF086;
	s6 =	sadd.s32 @!p0 s3, s7;
	s7 =	simm.s32 @!p0 $0x108  }
0x21: {  	s3 =	sadd.s32 s3, s9;
	s6 =	sadd.s32 @!p0 $0x88, s6;
	s7 =	simm.s32 @p2 $0x1082  }
0x22: {  	[simem:s7], [sflag:s8] =	dma.local @!p0 [hbm:s6], $0xF7A  }
0x23: {  	s9 =	sor.u32 $0xD0000000, s2;
	s6 =	simm.s32 $0x108;
	_ =	swait.ge @!p0 [sflag:s8], $0x0  }
0x24: {  	s3 =	sadd.s32 $0x88, s3;
	s6 =	simm.s32 @!p1 $0x1082;
	[sflag:s4] =	ssyncset.s32 $0xFFFFF086  }
0x25: {  	[simem:s6], [sflag:s4] =	dma.local [hbm:s3], $0xF7A  }
0x26: {  	[smem:$0x3F9B] =	sst s1;
	(tag) =	ssettag s2;
	_ =	strace s9  }
0x27: {  	s1 =	sld [smem:$0x3FAB]  }
0x28: {  	s2 =	sld [smem:$0x3FAC]  }
0x29: {  	s4 =	sld [smem:$0x3FAE]  }
0x2a: {  	p0 =	seq.s32 s5, $0x0;
	s5 =	sld [smem:$0x3FAF]  }
0x2b: {  	s6 =	sld [smem:$0x3FB0]  }
0x2c: {  	s7 =	sld [smem:$0x3FB1]  }
0x2d: {  	s3 =	simm.s32 $0x108;
	s8 =	sld [smem:$0x3FB2]  }
0x2e: {  	s3 =	simm.s32 @!p0 $0x1082;
	s9 =	sld [smem:$0x3FB3]  }
0x2f: {  	lr =	sadd.s32 s0, s3;
	s0 =	sld [smem:$0x3FAA]  }
0x30: {  	s3 =	sld [smem:$0x3FAD]  }
0x31: {  	[smem:$0x3FB6] =	sst s10  }
0x32: {  	s10 =	sld [smem:$0x3FB4];
	_ =	sdelay $0x3  }
0x33: {  	p0 =	seq.s32 s10, $0x1;
	s10 =	sld [smem:$0x3FB6];
	_ =	sdelay $0x3  }
0x34: {  	[smem:$0x3FB6] =	sst s10  }
0x35: {  	s10 =	sld [smem:$0x3FB5];
	_ =	sdelay $0x3  }
0x36: {  	p1 =	seq.s32 s10, $0x1;
	s10 =	sld [smem:$0x3FB6];
	_ =	sdelay $0x3  }
0x37: {  	[smem:$0x3FB6] =	sst s10  }
0x38: {  	s10 =	sld [smem:$0x3FB7]  }
0x39: {  	_ = 	snop;
	(pc) =	sbr.ind lr, $3  }
0x3a: {  	_ = 	snop  }
0x3b: {  	_ = 	snop  }
0x3c: {  	p2 =	seq.s32 s10, $0x1;
	s10 =	sld [smem:$0x3FB6]  }
0x3d: {  	_ =	shalt  }
0x3e: {  	_ =	shalt  }
0x3f: {  	_ =	shalt  }
0x40: {  	_ =	shalt  }
0x41: {  	_ =	shalt  }
0x42: {  	_ =	shalt  }
0x43: {  	_ =	shalt  }
0x44: {  	_ =	shalt  }
0x45: {  	_ =	shalt  }
0x46: {  	_ =	shalt  }
0x47: {  	_ =	shalt  }
0x48: {  	_ =	shalt  }
0x49: {  	_ =	shalt  }
0x4a: {  	_ =	shalt  }
0x4b: {  	_ =	shalt  }
0x4c: {  	_ =	shalt  }
0x4d: {  	_ =	shalt  }
0x4e: {  	_ =	shalt  }
0x4f: {  	_ =	shalt  }
0x50: {  	_ =	shalt  }
0x51: {  	_ =	shalt  }
0x52: {  	_ =	shalt  }
0x53: {  	_ =	shalt  }
0x54: {  	_ =	shalt  }
0x55: {  	_ =	shalt  }
0x56: {  	_ =	shalt  }
0x57: {  	_ =	shalt  }
0x58: {  	_ =	shalt  }
0x59: {  	_ =	shalt  }
0x5a: {  	_ =	shalt  }
0x5b: {  	_ =	shalt  }
0x5c: {  	_ =	shalt  }
0x5d: {  	_ =	shalt  }
0x5e: {  	_ =	shalt  }
0x5f: {  	_ =	shalt  }
0x60: {  	_ =	shalt  }
0x61: {  	_ =	shalt  }
0x62: {  	_ =	shalt  }
0x63: {  	_ =	shalt  }
0x64: {  	_ =	shalt  }
0x65: {  	_ =	shalt  }
0x66: {  	_ =	shalt  }
0x67: {  	_ =	shalt  }
0x68: {  	_ =	shalt  }
0x69: {  	_ =	shalt  }
0x6a: {  	_ =	shalt  }
0x6b: {  	_ =	shalt  }
0x6c: {  	_ =	shalt  }
0x6d: {  	_ =	shalt  }
0x6e: {  	_ =	shalt  }
0x6f: {  	_ =	shalt  }
0x70: {  	_ =	shalt  }
0x71: {  	_ =	shalt  }
0x72: {  	_ =	shalt  }
0x73: {  	_ =	shalt  }
0x74: {  	_ =	shalt  }
0x75: {  	_ =	shalt  }
0x76: {  	_ =	shalt  }
0x77: {  	_ =	shalt  }
0x78: {  	_ =	shalt  }
0x79: {  	_ =	shalt  }
0x7a: {  	_ =	shalt  }
0x7b: {  	_ =	shalt  }
0x7c: {  	_ =	shalt  }
0x7d: {  	_ =	shalt  }
0x7e: {  	_ =	shalt  }
0x7f: {  	_ =	shalt  }
0x80: {  	_ =	shalt  }
0x81: {  	_ =	shalt  }
0x82: {  	_ =	shalt  }
0x83: {  	_ =	shalt  }
0x84: {  	_ =	shalt  }
0x85: {  	_ =	shalt  }
0x86: {  	_ =	shalt  }
0x87: {  	_ =	shalt  }
.Lfunc_end0:
.L_simem_size_0:
called_computation_lowered:
.L_overlay_start_0:
0x88: {  	s2 =	sld [smem:$0x3FD9]  }
0x89: {  	s3 =	sld [smem:$0x3FFE];
	_ =	sdelay $0x1  }
0x8a: {  	s1 =	srdreg.scid  }
0x8b: {  	s0 =	sand.u32 $0x1, s1  }
0x8c: {  	s17 =	sshll.u32 s0, $0xA;
	s2 =	sadd.s32 s3, s2  }
0x8d: {  	s2 =	sadd.s32 s2, s17  }
0x8e: {  	[smem:$0x3FC2] =	sst s2  }
0x8f: {  	_ = 	snop  }
0x90: {  	s2 =	sld [smem:$0x3FC9]  }
0x91: {  	s18 =	sld [smem:$0x3FC8]  }
0x92: {  	s4 =	sld [smem:$0x3FD0];
	(tm) =	ssettm $0x1  }
0x93: {  	s5 =	sld [smem:$0x3FFB];
	_ =	sdelay $0x3  }
0x94: {  	_ =	strace s5  }
0x95: {  	s5 =	sld [smem:$0x3FFC];
	_ =	sdelay $0x3  }
0x96: {  	_ =	strace s5  }
0x97: {  	s5 =	sld [smem:$0x3FFD];
	_ =	sdelay $0x3  }
0x98: {  	_ =	strace s5  }
0x99: {  	_ =	strace $0x8FFFFFFF  }
0x9a: {  	s19 =	sld [smem:$0x3FDB];
	_ =	sdelay $0x1  }
0x9b: {  	s6 =	simm.s32 $_scs_section_size  }
0x9c: {  	s7 =	simm.s32 $_size__tile_overlayer_lowered;
	s8 =	simm.s32 $_tile_overlayer_lowered  }
0x9d: {  	s22 =	simm.s32 $0x1BFF;
	s21 =	sshll.u32 s8, $0x1;
	s5 =	sadd.s32 s6, s19  }
0x9e: {  	s9 =	simm.s32 $0x0;
	s20 =	sshll.u32 s7, $0x1;
	s7 =	sadd.s32 s21, s5  }
0x9f: {  	[timem:s9], [sflag:s22] =	dma.local [hbm:s7], s20  }
0xa0: {  	_ =	swait.ge [sflag:s22], s20  }
0xa1: {  	s6 =	ssub.s32 $0x0, s20;
	[sflag:s22] =	ssyncset.done $0x0  }
0xa2: {  	[sflag:s22] =	ssyncadd.s32 s6;
	_ =	sdelay $0x1  }
0xa3: {  	s23 =	simm.s32 $0x1B8B  }
0xa4: {  	_ =	swait.ge [sflag:s23], $0x1  }
0xa5: {  	[sflag:s23] =	ssyncset.done $0x0  }
0xa6: {  	s25 =	simm.s32 $0x1B8E;
	s24 =	sld [smem:$0x3FFE];
	[sflag:s23] =	ssyncadd.s32 $0xFFFFFFFF  }
0xa7: {  	s26 =	simm.s32 $execute0_lowered;
	[smem:$0x3FD2] =	sst s25  }
0xa8: {  	s7 =	sshll.u32 s26, $0x1;
	_ =	strace $0x80000046;
	[dreg:$0x1] =	wrdreg $0xFFFFFFFF  }
0xa9: {  	s28 =	simm.s32 $_size_execute0_lowered;
	s5 =	sadd.s32 s5, s7;
	[dreg:$0x0] =	wrdreg $0x0  }
0xaa: {  	s7 =	sshll.u32 s28, $0x1;
	[dreg:$0x2] =	wrdreg s5  }
0xab: {  	[dreg:$0x3] =	wrdreg s7  }
0xac: {  	[dreg:$0x4] =	wrdreg $0xC0  }
0xad: {  	_ =	task [dreg:s9], $0x5FFFF  }
0xae: {  	[dreg:$0x1] =	wrdreg $0xFFFFFFFF  }
0xaf: {  	[dreg:$0x0] =	wrdreg $0x60  }
0xb0: {  	[dreg:$0x2] =	wrdreg s2  }
0xb1: {  	[dreg:$0x3] =	wrdreg s18  }
0xb2: {  	[dreg:$0x4] =	wrdreg s24  }
0xb3: {  	[dreg:$0x5] =	wrdreg s4  }
0xb4: {  	[dreg:$0x6] =	wrdreg $0x9  }
0xb5: {  	_ =	task.clear_ibuf [dreg:s9], $0x7FFFF;
	_ =	strace $0x90000046  }
0xb6: {  	s29 =	simm.s32 $0x9;
	_ =	strace $0x80000048  }
0xb7: {  	_ =	swait.ge [sflag:s29], $0x1  }
0xb8: {  	[sflag:s29] =	ssyncadd.s32 $0xFFFFFFFF  }
0xb9: {  	_ =	strace $0x90000048  }
0xba: {  	_ =	sfence  }
0xbb: {  	s30 =	sld [smem:$0x0];
	_ =	sdelay $0x2  }
0xbc: {  	s31 =	sshll.u32 s1, $0xD;
	s1 =	sshrl.u32 s1, $0x2  }
0xbd: {  	s3 =	sand.u32 $0x4000, s31;
	s1 =	sadd.s32 s1, s30  }
0xbe: {  	s0 =	sor.u32 s3, s0;
	s1 =	sshll.u32 s1, $0x11  }
0xbf: {  	s0 =	sor.u32 s1, s0  }
0xc0: {  	s0 =	sadd.s32 $0x8F2B, s0  }
0xc1: {  	[sflag:s0] =	ssyncadd.remote.s32 $0x1  }
0xc2: {  	_ =	sfence.sel $0xFFFF  }
0xc3: {  	[dreg:$0x0] =	wrdreg $0xFFFFFFFF;
	(pc) =	sbr.abs _section_cstart, $3  }
0xc4: {  	[dreg:$0x1] =	wrdreg $0xFFFFFFFF  }
0xc5: {  	_ =	task.clear_ibuf [dreg:s9], $0x2FFFF;
	_ =	strace $0x9FFFFFFF  }
0xc6: {  	(tm) =	ssettm $0x7FFFFFFF  }
0xc7: {  	_ =	shalt  }
tec
execute0_lowered:
.L_overlay_start_1:
0x0: {  	(tag) =	ssettag $0x1  }
0x1: {  	s0 =	rddreg [dreg:$0x0]  }
0x2: {  	s2 =	rddreg [dreg:$0x1]  }
0x3: {  	s6 =	rddreg [dreg:$0x2]  }
0x4: {  	s9 =	rddreg [dreg:$0x3]  }
0x5: {  	s1 =	simm.s32 $0x0;
	s7 =	srdreg.scid;
	s10 =	stileid.u32  }
0x6: {  	s12 =	simm.s32 $0x200;
	s13 =	simm.s32 $0x80;
	s14 =	simm.s32 $0x400  }
0x7: {  	s18 =	simm.s32 $0x180;
	s19 =	simm.s32 $0x3400;
	s20 =	simm.s32 $0x4400  }
0x8: {  	s21 =	simm.s32 $0x280;
	s22 =	simm.s32 $0x5400;
	s23 =	simm.s32 $0x300  }
0x9: {  	s24 =	simm.s32 $0x6400;
	s25 =	simm.s32 $0x380;
	s26 =	simm.s32 $0x7400  }
0xa: {  	s28 =	simm.s32 $0x8400;
	s29 =	simm.s32 $0x8600;
	s30 =	simm.s32 $0x1  }
0xb: {  	s31 =	simm.s32 $0x2;
	[smem:$0x7FF] =	sst s1;
	s3 =	sadd.s32 $0xF42C00, s6  }
0xc: {  	s4 =	sadd.s32 $0x187200, s6;
	s5 =	sadd.s32 $0x800, s6;
	s7 =	sand.u32 $0x1, s7  }
0xd: {  	s10 =	sshll.u32 s10, $0x7;
	s8 =	ssub.s32 $0x2, s7;
	s7 =	sshll.u32 s7, $0x6  }
0xe: {  	v0 =	vlaneseq.u32;
	s6 =	sadd.s32 $0xA00, s6;
	s11 =	sshrl.u32 s8, $0x1;
	s10 =	sor.u32 s7, s10  }
0xf: {  	v2 =	vmul.u32 $0x20, v0;
	_ =	strace $0x80000047;
	s11 =	ssub.s32 s8, s11;
	s7 =	sadd.s32 s0, s10  }
0x10: {  	s8 =	sadd.s32 s2, s10;
	s9 =	sadd.s32 s9, s10;
	s0 =	simm.s32 $0x8610  }
0x11: {  	[tilespmem:$0x1FFF0] =	vst v2;
	s2 =	simm.s32 $0x0;
	s10 =	smax.u32 s11, $0x1;
	s11 =	simm.s32 $0x3  }
.LBB2_1:
0x12: {  	[tilespmem:s1], [sflag:$0x3] =	stream.linear.gather [hbm4b:s7+s1], $0x200, $0x38;
	[tilespmem:$0x8810] =	vst v63  }
0x13: {  	_ =	swait.ge [sflag:s11], $0x200  }
0x14: {  	[sflag:s11] =	ssyncset.done $0x0  }
0x15: {  	[sflag:s11] =	ssyncadd.s32 $0xFFFFFE00  }
0x16: {  	[tilespmem:s12], [sflag:$0x3] =	stream.linear.gather [hbm4b:s8+s1], $0x200, $0x38;
	[tilespmem:$0x8810] =	vst v63  }
0x17: {  	_ =	swait.ge [sflag:s11], $0x200  }
0x18: {  	[sflag:s11] =	ssyncset.done $0x0  }
0x19: {  	[sflag:s11] =	ssyncadd.s32 $0xFFFFFE00  }
0x1a: {  	[tilespmem:s14], [sflag:$0x1] =	stream.indirect.gather [hbm4b:s3+s13], $0x20, s1, s13, $0xb8;
	[tilespmem:$0x8810] =	vst v63  }
0x1b: {  	s15 =	simm.s32 $0x1400  }
0x1c: {  	[tilespmem:s15], [sflag:$0x1] =	stream.indirect.gather [hbm4b:s3+s13], $0x20, s13, s13, $0xb8;
	[tilespmem:$0x8810] =	vst v63  }
0x1d: {  	s17 =	simm.s32 $0x100;
	s16 =	simm.s32 $0x2400  }
0x1e: {  	[tilespmem:s16], [sflag:$0x1] =	stream.indirect.gather [hbm4b:s3+s13], $0x20, s17, s13, $0xb8;
	[tilespmem:$0x8810] =	vst v63  }
0x1f: {  	_ = 	snop  }
0x20: {  	[tilespmem:s19], [sflag:$0x1] =	stream.indirect.gather [hbm4b:s3+s13], $0x20, s18, s13, $0xb8;
	[tilespmem:$0x8810] =	vst v63  }
0x21: {  	_ = 	snop  }
0x22: {  	[tilespmem:s20], [sflag:$0x2] =	stream.indirect.gather [hbm4b:s4+s13], $0x20, s12, s13, $0xb8;
	[tilespmem:$0x8810] =	vst v63  }
0x23: {  	_ = 	snop  }
0x24: {  	[tilespmem:s22], [sflag:$0x2] =	stream.indirect.gather [hbm4b:s4+s13], $0x20, s21, s13, $0xb8;
	[tilespmem:$0x8810] =	vst v63  }
0x25: {  	_ = 	snop  }
0x26: {  	[tilespmem:s24], [sflag:$0x2] =	stream.indirect.gather [hbm4b:s4+s13], $0x20, s23, s13, $0xb8;
	[tilespmem:$0x8810] =	vst v63  }
0x27: {  	_ = 	snop  }
0x28: {  	[tilespmem:s26], [sflag:$0x2] =	stream.indirect.gather [hbm4b:s4+s13], $0x20, s25, s13, $0xb8;
	[tilespmem:$0x8810] =	vst v63  }
0x29: {  	_ = 	snop  }
0x2a: {  	[tilespmem:s28], [sflag:$0x3] =	stream.linear.gather [hbm4b:s5+s1], $0x200, $0x38;
	[tilespmem:$0x8810] =	vst v63  }
0x2b: {  	_ =	swait.ge [sflag:s11], $0x200  }
0x2c: {  	[sflag:s11] =	ssyncset.done $0x0  }
0x2d: {  	[sflag:s11] =	ssyncadd.s32 $0xFFFFFE00  }
0x2e: {  	[tilespmem:s29], [sflag:$0x3] =	stream.linear.gather [hbm4b:s6+s1], $0x10, $0x38;
	[tilespmem:$0x8810] =	vst v63  }
0x2f: {  	_ =	swait.ge [sflag:s11], $0x10  }
0x30: {  	[sflag:s11] =	ssyncset.done $0x0  }
0x31: {  	[sflag:s11] =	ssyncadd.s32 $0xFFFFFFF0  }
0x32: {  	_ =	swait.ge [sflag:s30], $0x1000  }
0x33: {  	[sflag:s30] =	ssyncset.done $0x0  }
0x34: {  	[sflag:s30] =	ssyncadd.s32 $0xFFFFF000  }
0x35: {  	_ =	swait.ge [sflag:s30], $0x1000  }
0x36: {  	[sflag:s30] =	ssyncset.done $0x0  }
0x37: {  	[sflag:s30] =	ssyncadd.s32 $0xFFFFF000  }
0x38: {  	_ =	swait.ge [sflag:s30], $0x1000  }
0x39: {  	[sflag:s30] =	ssyncset.done $0x0  }
0x3a: {  	[sflag:s30] =	ssyncadd.s32 $0xFFFFF000  }
0x3b: {  	_ =	swait.ge [sflag:s30], $0x1000  }
0x3c: {  	[sflag:s30] =	ssyncset.done $0x0  }
0x3d: {  	[sflag:s30] =	ssyncadd.s32 $0xFFFFF000  }
0x3e: {  	_ =	swait.ge [sflag:s31], $0x1000  }
0x3f: {  	[sflag:s31] =	ssyncset.done $0x0  }
0x40: {  	[sflag:s31] =	ssyncadd.s32 $0xFFFFF000  }
0x41: {  	_ =	swait.ge [sflag:s31], $0x1000  }
0x42: {  	[sflag:s31] =	ssyncset.done $0x0  }
0x43: {  	[sflag:s31] =	ssyncadd.s32 $0xFFFFF000  }
0x44: {  	_ =	swait.ge [sflag:s31], $0x1000  }
0x45: {  	[sflag:s31] =	ssyncset.done $0x0  }
0x46: {  	[sflag:s31] =	ssyncadd.s32 $0xFFFFF000  }
0x47: {  	_ =	swait.ge [sflag:s31], $0x1000  }
0x48: {  	[sflag:s31] =	ssyncset.done $0x0  }
0x49: {  	[sflag:s31] =	ssyncadd.s32 $0xFFFFF000  }
0x4a: {  	v0 =	vld [tilespmem:$0x8600];
	_ =	sdelay $0x4  }
0x4b: {  	s15 =	simm.s32 $0x8630;
	s16 =	simm.s32 $0x0;
	[tilespmem:$0x1FFE0] =	vst v0  }
.LBB2_2:
0x4c: {  	_ =	sdelay $0x1  }
0x4d: {  	v0 =	vmov s16  }
0x4e: {  	v0 =	vshll.u32 v0, $0x5  }
0x4f: {  	v13 =	vor.u32 v2, v0  }
0x50: {  	v6 =	vor.u32 $0x1, v13;
	_ =	sdelay $0x1  }
0x51: {  	v9 =	vor.u32 $0x2, v13;
	_ =	sdelay $0x1  }
0x52: {  	v18 =	vor.u32 $0x3, v13  }
0x53: {  	s17 =	sadd.s32 $0x10, s16;
	v25 =	vld.idx.msk [tilespmem:v6+s14+$0x0], $0xffff  }
0x54: {  	v1 =	vmov s17;
	v27 =	vor.u32 $0x4, v13;
	v21 =	vld.idx.msk [tilespmem:v6+s20+$0x0], $0xffff  }
0x55: {  	v0 =	vshll.u32 v1, $0x5;
	v34 =	vld.idx.msk [tilespmem:v9+s14+$0x0], $0xffff  }
0x56: {  	v16 =	vor.u32 v2, v0;
	v31 =	vor.u32 $0x5, v13;
	v26 =	vld.idx.msk [tilespmem:v9+s20+$0x0], $0xffff  }
0x57: {  	s17 =	sadd.s32 $0x20, s16;
	v7 =	vor.u32 $0x1, v16;
	v45 =	vld.idx.msk [tilespmem:v18+s14+$0x0], $0xffff  }
0x58: {  	v1 =	vmov s17;
	s17 =	sadd.s32 $0x30, s16;
	v18 =	vld.idx.msk [tilespmem:v18+s20+$0x0], $0xffff  }
0x59: {  	v0 =	vshll.u32 v1, $0x5;
	v1 =	vmov s17;
	v14 =	vor.u32 $0x2, v16;
	v53 =	vld.idx.msk [tilespmem:v27+s14+$0x0], $0xffff  }
0x5a: {  	v19 =	vor.u32 v2, v0;
	v0 =	vshll.u32 v1, $0x5;
	v57 =	vld.idx.msk [tilespmem:v27+s20+$0x0], $0xffff  }
0x5b: {  	v22 =	vor.u32 $0x3, v16;
	v20 =	vor.u32 v2, v0;
	v0 =	vld.idx.msk [tilespmem:v31+s14+$0x0], $0xffff  }
0x5c: {  	v39 =	vld.idx.msk [tilespmem:v7+s14+$0x0], $0xffff  }
0x5d: {  	v28 =	vor.u32 $0x4, v16;
	v37 =	vld.idx.msk [tilespmem:v7+s20+$0x0], $0xffff  }
0x5e: {  	v43 =	vld.idx.msk [tilespmem:v14+s14+$0x0], $0xffff  }
0x5f: {  	v8 =	vor.u32 $0x1, v19;
	v14 =	vld.idx.msk [tilespmem:v14+s20+$0x0], $0xffff  }
0x60: {  	v49 =	vld.idx.msk [tilespmem:v22+s14+$0x0], $0xffff  }
0x61: {  	v15 =	vor.u32 $0x2, v19;
	v22 =	vld.idx.msk [tilespmem:v22+s20+$0x0], $0xffff  }
0x62: {  	v58 =	vld.idx.msk [tilespmem:v28+s14+$0x0], $0xffff  }
0x63: {  	v23 =	vor.u32 $0x3, v19;
	v51 =	vld.idx.msk [tilespmem:v28+s20+$0x0], $0xffff  }
0x64: {  	v38 =	vld.idx.msk [tilespmem:v8+s14+$0x0], $0xffff  }
0x65: {  	v29 =	vor.u32 $0x4, v19;
	v36 =	vld.idx.msk [tilespmem:v8+s20+$0x0], $0xffff  }
0x66: {  	v44 =	vld.idx.msk [tilespmem:v15+s14+$0x0], $0xffff  }
0x67: {  	v63 =	vor.u32 $0x1, v20;
	v15 =	vld.idx.msk [tilespmem:v15+s20+$0x0], $0xffff  }
0x68: {  	v48 =	vld.idx.msk [tilespmem:v23+s14+$0x0], $0xffff  }
0x69: {  	v17 =	vor.u32 $0x2, v20;
	v23 =	vld.idx.msk [tilespmem:v23+s20+$0x0], $0xffff  }
0x6a: {  	v50 =	vld.idx.msk [tilespmem:v29+s14+$0x0], $0xffff  }
0x6b: {  	v24 =	vor.u32 $0x3, v20;
	v28 =	vld.idx.msk [tilespmem:v29+s20+$0x0], $0xffff  }
0x6c: {  	v35 =	vld.idx.msk [tilespmem:v63+s14+$0x0], $0xffff  }
0x6d: {  	v10 =	vor.u32 $0x4, v20;
	v30 =	vld.idx.msk [tilespmem:v63+s20+$0x0], $0xffff  }
0x6e: {  	v47 =	vld.idx.msk [tilespmem:v17+s14+$0x0], $0xffff  }
0x6f: {  	v17 =	vld.idx.msk [tilespmem:v17+s20+$0x0], $0xffff  }
0x70: {  	v60 =	vld.idx.msk [tilespmem:v24+s14+$0x0], $0xffff  }
0x71: {  	v24 =	vld.idx.msk [tilespmem:v24+s20+$0x0], $0xffff  }
0x72: {  	v29 =	vld.idx.msk [tilespmem:v10+s14+$0x0], $0xffff  }
0x73: {  	v27 =	vld.idx.msk [tilespmem:v10+s20+$0x0], $0xffff;
	[tilespmem:$0x1F860] =	vst v0  }
0x74: {  	v40 =	vor.u32 $0x6, v13;
	v0 =	vld.idx.msk [tilespmem:v31+s20+$0x0], $0xffff;
	_ =	sdelay $0x4  }
0x75: {  	[tilespmem:$0x1F870] =	vst v0;
	v0 =	vld.idx.msk [tilespmem:v40+s14+$0x0], $0xffff;
	_ =	sdelay $0x4  }
0x76: {  	v41 =	vor.u32 $0x6, v16;
	[tilespmem:$0x1F880] =	vst v0;
	v0 =	vld.idx.msk [tilespmem:v40+s20+$0x0], $0xffff;
	_ =	sdelay $0x4  }
0x77: {  	[tilespmem:$0x1F890] =	vst v0;
	v0 =	vld.idx.msk [tilespmem:v41+s14+$0x0], $0xffff;
	_ =	sdelay $0x4  }
0x78: {  	v42 =	vor.u32 $0x6, v19;
	[tilespmem:$0x1F8A0] =	vst v0;
	v0 =	vld.idx.msk [tilespmem:v41+s20+$0x0], $0xffff;
	_ =	sdelay $0x4  }
0x79: {  	v46 =	vor.u32 $0x7, v13;
	[tilespmem:$0x1F8B0] =	vst v0;
	v0 =	vld.idx.msk [tilespmem:v42+s14+$0x0], $0xffff;
	_ =	sdelay $0x4  }
0x7a: {  	v52 =	vor.u32 $0x7, v16;
	[tilespmem:$0x1F8C0] =	vst v0;
	v0 =	vld.idx.msk [tilespmem:v46+s14+$0x0], $0xffff;
	_ =	sdelay $0x4  }
0x7b: {  	v54 =	vor.u32 $0x7, v19;
	[tilespmem:$0x1F8D0] =	vst v0;
	v0 =	vld.idx.msk [tilespmem:v52+s14+$0x0], $0xffff;
	_ =	sdelay $0x4  }
0x7c: {  	v55 =	vor.u32 $0x7, v20;
	[tilespmem:$0x1F8E0] =	vst v0;
	v0 =	vld.idx.msk [tilespmem:v54+s14+$0x0], $0xffff;
	_ =	sdelay $0x3  }
0x7d: {  	v62 =	vor.u32 $0x8, v16  }
0x7e: {  	v56 =	vor.u32 $0x8, v13;
	[tilespmem:$0x1F8F0] =	vst v0;
	v0 =	vld.idx.msk [tilespmem:v55+s14+$0x0], $0xffff;
	_ =	sdelay $0x3  }
0x7f: {  	v2 =	vld.idx.msk [tilespmem:v62+s14+$0x0], $0xffff  }
0x80: {  	v1 =	vld.idx.msk [tilespmem:v56+s14+$0x0], $0xffff;
	[tilespmem:$0x1F900] =	vst v0;
	v0 =	vor.u32 $0x8, v19;
	_ =	sdelay $0x3  }
0x81: {  	[tilespmem:$0x1F920] =	vst v2;
	v2 =	vld.idx.msk [tilespmem:v62+s20+$0x0], $0xffff  }
0x82: {  	[tilespmem:$0x1F910] =	vst v1;
	v1 =	vor.u32 $0x8, v20;
	v3 =	vld.idx.msk [tilespmem:v0+s14+$0x0], $0xffff;
	_ =	sdelay $0x3  }
0x83: {  	[tilespmem:$0x1F930] =	vst v2  }
0x84: {  	v2 =	vor.u32 $0x9, v13;
	[tilespmem:$0x1F940] =	vst v3;
	v3 =	vld.idx.msk [tilespmem:v1+s14+$0x0], $0xffff;
	_ =	sdelay $0x2  }
0x85: {  	v62 =	vld.idx.msk [tilespmem:v0+s20+$0x0], $0xffff  }
0x86: {  	v1 =	vld.idx.msk [tilespmem:v1+s20+$0x0], $0xffff  }
0x87: {  	v0 =	vor.u32 $0x9, v16;
	[tilespmem:$0x1F950] =	vst v3;
	v3 =	vld.idx.msk [tilespmem:v2+s14+$0x0], $0xffff;
	_ =	sdelay $0x3  }
0x88: {  	[tilespmem:$0x1F960] =	vst v1;
	v2 =	vld.idx.msk [tilespmem:v2+s20+$0x0], $0xffff  }
0x89: {  	v1 =	vor.u32 $0x9, v19;
	[tilespmem:$0x1F970] =	vst v3;
	v3 =	vld.idx.msk [tilespmem:v0+s14+$0x0], $0xffff;
	_ =	sdelay $0x3  }
0x8a: {  	[tilespmem:$0x1F980] =	vst v2;
	v0 =	vld.idx.msk [tilespmem:v0+s20+$0x0], $0xffff  }
0x8b: {  	v2 =	vor.u32 $0x9, v20;
	[tilespmem:$0x1F990] =	vst v3;
	v3 =	vld.idx.msk [tilespmem:v1+s14+$0x0], $0xffff;
	_ =	sdelay $0x3  }
0x8c: {  	[tilespmem:$0x1F9A0] =	vst v0;
	v1 =	vld.idx.msk [tilespmem:v1+s20+$0x0], $0xffff  }
0x8d: {  	v0 =	vor.u32 $0xA, v13;
	[tilespmem:$0x1F9B0] =	vst v3;
	v3 =	vld.idx.msk [tilespmem:v2+s14+$0x0], $0xffff;
	_ =	sdelay $0x3  }
0x8e: {  	[tilespmem:$0x1F9C0] =	vst v1;
	v2 =	vld.idx.msk [tilespmem:v2+s20+$0x0], $0xffff  }
0x8f: {  	v1 =	vor.u32 $0xA, v16;
	[tilespmem:$0x1F9D0] =	vst v3;
	v3 =	vld.idx.msk [tilespmem:v0+s14+$0x0], $0xffff;
	_ =	sdelay $0x3  }
0x90: {  	[tilespmem:$0x1F9E0] =	vst v2;
	v0 =	vld.idx.msk [tilespmem:v0+s20+$0x0], $0xffff  }
0x91: {  	v2 =	vor.u32 $0xA, v19;
	[tilespmem:$0x1F9F0] =	vst v3;
	v3 =	vld.idx.msk [tilespmem:v1+s14+$0x0], $0xffff;
	_ =	sdelay $0x3  }
0x92: {  	[tilespmem:$0x1FA00] =	vst v0;
	v1 =	vld.idx.msk [tilespmem:v1+s20+$0x0], $0xffff  }
0x93: {  	v0 =	vor.u32 $0xA, v20;
	[tilespmem:$0x1FA10] =	vst v3;
	v3 =	vld.idx.msk [tilespmem:v2+s14+$0x0], $0xffff;
	_ =	sdelay $0x3  }
0x94: {  	[tilespmem:$0x1FA20] =	vst v1;
	v2 =	vld.idx.msk [tilespmem:v2+s20+$0x0], $0xffff  }
0x95: {  	v1 =	vor.u32 $0xB, v13;
	[tilespmem:$0x1FA30] =	vst v3;
	v3 =	vld.idx.msk [tilespmem:v0+s14+$0x0], $0xffff;
	_ =	sdelay $0x3  }
0x96: {  	[tilespmem:$0x1FA40] =	vst v2;
	v0 =	vld.idx.msk [tilespmem:v0+s20+$0x0], $0xffff  }
0x97: {  	v2 =	vor.u32 $0xB, v16;
	[tilespmem:$0x1FA50] =	vst v3;
	v3 =	vld.idx.msk [tilespmem:v1+s14+$0x0], $0xffff;
	_ =	sdelay $0x3  }
0x98: {  	[tilespmem:$0x1FA60] =	vst v0;
	v1 =	vld.idx.msk [tilespmem:v1+s20+$0x0], $0xffff  }
0x99: {  	v0 =	vor.u32 $0xB, v19;
	[tilespmem:$0x1FA70] =	vst v3;
	v3 =	vld.idx.msk [tilespmem:v2+s14+$0x0], $0xffff;
	_ =	sdelay $0x3  }
0x9a: {  	[tilespmem:$0x1FA80] =	vst v1;
	v2 =	vld.idx.msk [tilespmem:v2+s20+$0x0], $0xffff  }
0x9b: {  	v1 =	vor.u32 $0xB, v20;
	[tilespmem:$0x1FA90] =	vst v3;
	v3 =	vld.idx.msk [tilespmem:v0+s14+$0x0], $0xffff;
	_ =	sdelay $0x3  }
0x9c: {  	[tilespmem:$0x1FAA0] =	vst v2;
	v0 =	vld.idx.msk [tilespmem:v0+s20+$0x0], $0xffff  }
0x9d: {  	v2 =	vor.u32 $0xC, v13;
	[tilespmem:$0x1FAB0] =	vst v3;
	v3 =	vld.idx.msk [tilespmem:v1+s14+$0x0], $0xffff;
	_ =	sdelay $0x3  }
0x9e: {  	[tilespmem:$0x1FAC0] =	vst v0;
	v1 =	vld.idx.msk [tilespmem:v1+s20+$0x0], $0xffff  }
0x9f: {  	v0 =	vor.u32 $0xC, v16;
	[tilespmem:$0x1FAD0] =	vst v3;
	v3 =	vld.idx.msk [tilespmem:v2+s14+$0x0], $0xffff;
	_ =	sdelay $0x3  }
0xa0: {  	[tilespmem:$0x1FAE0] =	vst v1;
	v2 =	vld.idx.msk [tilespmem:v2+s20+$0x0], $0xffff  }
0xa1: {  	v1 =	vor.u32 $0xC, v19;
	[tilespmem:$0x1FAF0] =	vst v3;
	v3 =	vld.idx.msk [tilespmem:v0+s14+$0x0], $0xffff;
	_ =	sdelay $0x3  }
0xa2: {  	[tilespmem:$0x1FB00] =	vst v2;
	v0 =	vld.idx.msk [tilespmem:v0+s20+$0x0], $0xffff  }
0xa3: {  	v2 =	vor.u32 $0xC, v20;
	[tilespmem:$0x1FB10] =	vst v3;
	v3 =	vld.idx.msk [tilespmem:v1+s14+$0x0], $0xffff;
	_ =	sdelay $0x3  }
0xa4: {  	[tilespmem:$0x1FB20] =	vst v0;
	v1 =	vld.idx.msk [tilespmem:v1+s20+$0x0], $0xffff  }
0xa5: {  	v0 =	vor.u32 $0xD, v13;
	[tilespmem:$0x1FB30] =	vst v3;
	v3 =	vld.idx.msk [tilespmem:v2+s14+$0x0], $0xffff;
	_ =	sdelay $0x3  }
0xa6: {  	[tilespmem:$0x1FB40] =	vst v1;
	v2 =	vld.idx.msk [tilespmem:v2+s20+$0x0], $0xffff  }
0xa7: {  	v1 =	vor.u32 $0xD, v16;
	[tilespmem:$0x1FB50] =	vst v3;
	v3 =	vld.idx.msk [tilespmem:v0+s14+$0x0], $0xffff;
	_ =	sdelay $0x3  }
0xa8: {  	[tilespmem:$0x1FB60] =	vst v2;
	v0 =	vld.idx.msk [tilespmem:v0+s20+$0x0], $0xffff  }
0xa9: {  	v2 =	vor.u32 $0xD, v19;
	[tilespmem:$0x1FB70] =	vst v3;
	v3 =	vld.idx.msk [tilespmem:v1+s14+$0x0], $0xffff;
	_ =	sdelay $0x3  }
0xaa: {  	[tilespmem:$0x1FB80] =	vst v0;
	v1 =	vld.idx.msk [tilespmem:v1+s20+$0x0], $0xffff  }
0xab: {  	v0 =	vor.u32 $0xD, v20;
	[tilespmem:$0x1FB90] =	vst v3;
	v3 =	vld.idx.msk [tilespmem:v2+s14+$0x0], $0xffff;
	_ =	sdelay $0x3  }
0xac: {  	[tilespmem:$0x1FBA0] =	vst v1;
	v2 =	vld.idx.msk [tilespmem:v2+s20+$0x0], $0xffff  }
0xad: {  	v1 =	vor.u32 $0xE, v13;
	[tilespmem:$0x1FBB0] =	vst v3;
	v3 =	vld.idx.msk [tilespmem:v0+s14+$0x0], $0xffff;
	_ =	sdelay $0x3  }
0xae: {  	[tilespmem:$0x1FBC0] =	vst v2;
	v0 =	vld.idx.msk [tilespmem:v0+s20+$0x0], $0xffff  }
0xaf: {  	v2 =	vor.u32 $0xE, v16;
	[tilespmem:$0x1FBD0] =	vst v3;
	v3 =	vld.idx.msk [tilespmem:v1+s14+$0x0], $0xffff;
	_ =	sdelay $0x3  }
0xb0: {  	[tilespmem:$0x1FBE0] =	vst v0;
	v1 =	vld.idx.msk [tilespmem:v1+s20+$0x0], $0xffff  }
0xb1: {  	v0 =	vor.u32 $0xE, v19;
	[tilespmem:$0x1FBF0] =	vst v3;
	v3 =	vld.idx.msk [tilespmem:v2+s14+$0x0], $0xffff;
	_ =	sdelay $0x3  }
0xb2: {  	[tilespmem:$0x1FC00] =	vst v1;
	v2 =	vld.idx.msk [tilespmem:v2+s20+$0x0], $0xffff  }
0xb3: {  	v1 =	vor.u32 $0xE, v20;
	[tilespmem:$0x1FC10] =	vst v3;
	v3 =	vld.idx.msk [tilespmem:v0+s14+$0x0], $0xffff;
	_ =	sdelay $0x3  }
0xb4: {  	[tilespmem:$0x1FC20] =	vst v2;
	v0 =	vld.idx.msk [tilespmem:v0+s20+$0x0], $0xffff  }
0xb5: {  	v2 =	vor.u32 $0xF, v13;
	[tilespmem:$0x1FC30] =	vst v3;
	v3 =	vld.idx.msk [tilespmem:v1+s14+$0x0], $0xffff;
	_ =	sdelay $0x3  }
0xb6: {  	[tilespmem:$0x1FC40] =	vst v0;
	v1 =	vld.idx.msk [tilespmem:v1+s20+$0x0], $0xffff  }
0xb7: {  	v0 =	vor.u32 $0xF, v16;
	[tilespmem:$0x1FC50] =	vst v3;
	v3 =	vld.idx.msk [tilespmem:v2+s14+$0x0], $0xffff;
	_ =	sdelay $0x3  }
0xb8: {  	[tilespmem:$0x1FC60] =	vst v1;
	v2 =	vld.idx.msk [tilespmem:v2+s20+$0x0], $0xffff  }
0xb9: {  	v1 =	vor.u32 $0xF, v19;
	[tilespmem:$0x1FC70] =	vst v3;
	v3 =	vld.idx.msk [tilespmem:v0+s14+$0x0], $0xffff;
	_ =	sdelay $0x3  }
0xba: {  	[tilespmem:$0x1FC80] =	vst v2;
	v0 =	vld.idx.msk [tilespmem:v0+s20+$0x0], $0xffff  }
0xbb: {  	v2 =	vor.u32 $0xF, v20;
	[tilespmem:$0x1FC90] =	vst v3;
	v3 =	vld.idx.msk [tilespmem:v1+s14+$0x0], $0xffff;
	_ =	sdelay $0x3  }
0xbc: {  	[tilespmem:$0x1FCA0] =	vst v0;
	v1 =	vld.idx.msk [tilespmem:v1+s20+$0x0], $0xffff  }
0xbd: {  	v0 =	vor.u32 $0x10, v13;
	[tilespmem:$0x1FCB0] =	vst v3;
	v3 =	vld.idx.msk [tilespmem:v2+s14+$0x0], $0xffff;
	_ =	sdelay $0x3  }
0xbe: {  	[tilespmem:$0x1FCC0] =	vst v1;
	v2 =	vld.idx.msk [tilespmem:v2+s20+$0x0], $0xffff  }
0xbf: {  	v1 =	vor.u32 $0x10, v16;
	[tilespmem:$0x1FCD0] =	vst v3;
	v3 =	vld.idx.msk [tilespmem:v0+s14+$0x0], $0xffff;
	_ =	sdelay $0x3  }
0xc0: {  	[tilespmem:$0x1FCE0] =	vst v2;
	v0 =	vld.idx.msk [tilespmem:v0+s20+$0x0], $0xffff  }
0xc1: {  	v2 =	vor.u32 $0x10, v19;
	[tilespmem:$0x1FCF0] =	vst v3;
	v3 =	vld.idx.msk [tilespmem:v1+s14+$0x0], $0xffff;
	_ =	sdelay $0x3  }
0xc2: {  	[tilespmem:$0x1FD00] =	vst v0;
	v1 =	vld.idx.msk [tilespmem:v1+s20+$0x0], $0xffff  }
0xc3: {  	v0 =	vor.u32 $0x10, v20;
	[tilespmem:$0x1FD10] =	vst v3;
	v3 =	vld.idx.msk [tilespmem:v2+s14+$0x0], $0xffff;
	_ =	sdelay $0x3  }
0xc4: {  	[tilespmem:$0x1FD20] =	vst v1;
	v2 =	vld.idx.msk [tilespmem:v2+s20+$0x0], $0xffff  }
0xc5: {  	v1 =	vor.u32 $0x11, v13;
	[tilespmem:$0x1FD30] =	vst v3;
	v3 =	vld.idx.msk [tilespmem:v0+s14+$0x0], $0xffff;
	_ =	sdelay $0x3  }
0xc6: {  	[tilespmem:$0x1FD40] =	vst v2;
	v0 =	vld.idx.msk [tilespmem:v0+s20+$0x0], $0xffff  }
0xc7: {  	v2 =	vor.u32 $0x11, v16;
	[tilespmem:$0x1FD50] =	vst v3;
	v3 =	vld.idx.msk [tilespmem:v1+s14+$0x0], $0xffff;
	_ =	sdelay $0x3  }
0xc8: {  	[tilespmem:$0x1FD60] =	vst v0  }
0xc9: {  	v0 =	vor.u32 $0x11, v19;
	[tilespmem:$0x1FD70] =	vst v3;
	v3 =	vld.idx.msk [tilespmem:v2+s14+$0x0], $0xffff  }
0xca: {  	v1 =	vld.idx.msk [tilespmem:v1+s20+$0x0], $0xffff;
	_ =	sdelay $0x1  }
0xcb: {  	v32 =	vor.u32 $0x5, v16;
	_ =	sdelay $0x1  }
0xcc: {  	[tilespmem:$0x1FD90] =	vst v3;
	v3 =	vld.idx.msk [tilespmem:v0+s14+$0x0], $0xffff  }
0xcd: {  	[tilespmem:$0x1FD80] =	vst v1;
	v1 =	vor.u32 $0x11, v20;
	v0 =	vld.idx.msk [tilespmem:v0+s20+$0x0], $0xffff  }
0xce: {  	v11 =	vor.u32 $0x5, v20  }
0xcf: {  	v63 =	vld.idx.msk [tilespmem:v32+s14+$0x0], $0xffff  }
0xd0: {  	v59 =	vld.idx.msk [tilespmem:v32+s20+$0x0], $0xffff  }
0xd1: {  	v2 =	vld.idx.msk [tilespmem:v2+s20+$0x0], $0xffff  }
0xd2: {  	[tilespmem:$0x1FDC0] =	vst v0;
	v0 =	vld.idx.msk [tilespmem:v1+s14+$0x0], $0xffff  }
0xd3: {  	v32 =	vld.idx.msk [tilespmem:v11+s14+$0x0], $0xffff  }
0xd4: {  	v31 =	vld.idx.msk [tilespmem:v11+s20+$0x0], $0xffff  }
0xd5: {  	v9 =	vld.idx.msk [tilespmem:v13+s14+$0x0], $0xffff  }
0xd6: {  	v6 =	vld.idx.msk [tilespmem:v13+s20+$0x0], $0xffff;
	[tilespmem:$0x1FDA0] =	vst v2  }
0xd7: {  	v2 =	vor.u32 $0x12, v13;
	[tilespmem:$0x1FDD0] =	vst v0;
	v0 =	vld.idx.msk [tilespmem:v1+s20+$0x0], $0xffff  }
0xd8: {  	v8 =	vld.idx.msk [tilespmem:v16+s14+$0x0], $0xffff  }
0xd9: {  	v5 =	vld.idx.msk [tilespmem:v16+s20+$0x0], $0xffff;
	v1 =	vor.u32 $0x12, v16  }
0xda: {  	v10 =	vld.idx.msk [tilespmem:v19+s20+$0x0], $0xffff  }
0xdb: {  	v12 =	vor.u32 $0x6, v20;
	v11 =	vld.idx.msk [tilespmem:v20+s14+$0x0], $0xffff  }
0xdc: {  	[tilespmem:$0x1FDE0] =	vst v0;
	v0 =	vld.idx.msk [tilespmem:v2+s14+$0x0], $0xffff  }
0xdd: {  	v7 =	vld.idx.msk [tilespmem:v20+s20+$0x0], $0xffff  }
0xde: {  	v6 =	vmul.f32 v6, v9;
	v9 =	vld.idx.msk [tilespmem:v1+s14+$0x0], $0xffff  }
0xdf: {  	[tilespmem:$0x1FDB0] =	vst v3;
	v3 =	vor.u32 $0x12, v19;
	v1 =	vld.idx.msk [tilespmem:v1+s20+$0x0], $0xffff  }
0xe0: {  	v40 =	vld.idx.msk [tilespmem:v12+s20+$0x0], $0xffff  }
0xe1: {  	[tilespmem:$0x1FDF0] =	vst v0;
	v0 =	vld.idx.msk [tilespmem:v2+s20+$0x0], $0xffff  }
0xe2: {  	v41 =	vld.idx.msk [tilespmem:v12+s14+$0x0], $0xffff  }
0xe3: {  	v12 =	vld.idx.msk [tilespmem:v19+s14+$0x0], $0xffff  }
0xe4: {  	v4 =	vor.u32 $0x12, v20;
	[tilespmem:$0x1FE20] =	vst v1;
	v1 =	vmul.f32 v21, v25;
	v25 =	vld.idx.msk [tilespmem:v3+s14+$0x0], $0xffff  }
0xe5: {  	v2 =	vld [tilespmem:$0x8410]  }
0xe6: {  	v5 =	vmul.f32 v5, v8;
	v8 =	vor.u32 $0x13, v13;
	[tilespmem:$0x1FE00] =	vst v0;
	v0 =	vld [tilespmem:$0x8400]  }
0xe7: {  	v3 =	vld.idx.msk [tilespmem:v3+s20+$0x0], $0xffff  }
0xe8: {  	v21 =	vld [tilespmem:$0x1FFE0]  }
0xe9: {  	v33 =	vor.u32 $0x5, v19;
	v12 =	vmul.f32 v10, v12;
	[tilespmem:$0x1FE30] =	vst v25;
	v25 =	vld.idx.msk [tilespmem:v4+s14+$0x0], $0xffff  }
0xea: {  	v26 =	vmul.f32 v26, v34;
	v4 =	vld.idx.msk [tilespmem:v4+s20+$0x0], $0xffff  }
0xeb: {  	[tilespmem:$0x1FE10] =	vst v9;
	v6 =	vmul.f32 v6, v0;
	v9 =	vmul.f32 v12, v0;
	v12 =	vld.idx.msk [tilespmem:v8+s14+$0x0], $0xffff  }
0xec: {  	v18 =	vmul.f32 v18, v45;
	v38 =	vmul.f32 v36, v38;
	v8 =	vld.idx.msk [tilespmem:v8+s20+$0x0], $0xffff  }
0xed: {  	[tilespmem:$0x1FE40] =	vst v3;
	v1 =	vmul.f32 v1, v2;
	v3 =	vadd.f32 v6, v21;
	v6 =	vor.u32 $0x13, v16  }
0xee: {  	v61 =	vld.idx.msk [tilespmem:v33+s14+$0x0], $0xffff;
	v17 =	vmul.f32 v17, v47;
	v47 =	vmul.f32 v51, v58;
	[tilespmem:$0x1FE50] =	vst v25  }
0xef: {  	v7 =	vmul.f32 v7, v11;
	[tilespmem:$0x1FE60] =	vst v4;
	v4 =	vld [tilespmem:$0x8420];
	v25 =	vor.u32 $0x13, v19;
	v1 =	vadd.f32 v1, v3  }
0xf0: {  	v33 =	vld.idx.msk [tilespmem:v33+s20+$0x0], $0xffff;
	v3 =	vmul.f32 v37, v39;
	v39 =	vmul.f32 v30, v35;
	v35 =	vor.u32 $0x13, v20  }
0xf1: {  	v5 =	vmul.f32 v5, v0;
	v0 =	vmul.f32 v7, v0;
	[tilespmem:$0x1FE80] =	vst v8;
	v8 =	vld [tilespmem:$0x8430]  }
0xf2: {  	v7 =	vmul.f32 v38, v2;
	v38 =	vmul.f32 v14, v43;
	v36 =	vld.idx.msk [tilespmem:v6+s20+$0x0], $0xffff  }
0xf3: {  	v0 =	vadd.f32 v0, v21;
	v3 =	vmul.f32 v3, v2;
	v2 =	vmul.f32 v39, v2;
	v34 =	vld.idx.msk [tilespmem:v6+s14+$0x0], $0xffff  }
0xf4: {  	v5 =	vadd.f32 v5, v21;
	v30 =	vadd.f32 v9, v21;
	v43 =	vld.idx.msk [tilespmem:v25+s14+$0x0], $0xffff;
	v39 =	vmul.f32 v26, v4  }
0xf5: {  	v26 =	vmul.f32 v22, v49;
	v0 =	vadd.f32 v2, v0;
	v2 =	vmul.f32 v15, v44;
	v21 =	vld.idx.msk [tilespmem:v35+s14+$0x0], $0xffff  }
0xf6: {  	v37 =	vadd.f32 v7, v30;
	v49 =	vmul.f32 v27, v29;
	v6 =	vmul.f32 v38, v4;
	v30 =	vld.idx.msk [tilespmem:v35+s20+$0x0], $0xffff  }
0xf7: {  	v2 =	vmul.f32 v2, v4;
	v4 =	vmul.f32 v17, v4;
	[tilespmem:$0x1FEA0] =	vst v36;
	v36 =	vld [tilespmem:$0x8440]  }
0xf8: {  	v1 =	vadd.f32 v39, v1;
	v35 =	vmul.f32 v18, v8;
	v17 =	vld [tilespmem:$0x1F860];
	[tilespmem:$0x1FE90] =	vst v34;
	v34 =	vmul.f32 v23, v48  }
0xf9: {  	[tilespmem:$0x1FEB0] =	vst v43;
	v43 =	vmul.f32 v57, v53;
	v18 =	vld [tilespmem:$0x1F870];
	v2 =	vadd.f32 v2, v37;
	v37 =	vmul.f32 v24, v60  }
0xfa: {  	v3 =	vadd.f32 v3, v5;
	v48 =	vmul.f32 v28, v50;
	v50 =	vld [tilespmem:$0x8450];
	v5 =	vmul.f32 v34, v8  }
0xfb: {  	v0 =	vadd.f32 v4, v0;
	v1 =	vadd.f32 v35, v1;
	v4 =	vmul.f32 v37, v8  }
0xfc: {  	v23 =	vmul.f32 v33, v61;
	v2 =	vadd.f32 v5, v2;
	v7 =	vmul.f32 v43, v36  }
0xfd: {  	v0 =	vadd.f32 v4, v0;
	v58 =	vmul.f32 v48, v36;
	v5 =	vmul.f32 v49, v36  }
0xfe: {  	v4 =	vmul.f32 v18, v17;
	v1 =	vadd.f32 v7, v1  }
0xff: {  	v7 =	vadd.f32 v58, v2;
	v5 =	vadd.f32 v5, v0;
	v0 =	vmul.f32 v23, v50  }
0x100: {  	v2 =	vmul.f32 v4, v50  }
0x101: {  	v24 =	vmul.f32 v31, v32;
	v31 =	vadd.f32 v0, v7;
	v0 =	vld [tilespmem:$0x1F880]  }
0x102: {  	[tilespmem:$0x1FEE0] =	vst v30;
	v30 =	vadd.f32 v2, v1;
	v2 =	vld [tilespmem:$0x1F890];
	_ =	sdelay $0x1  }
0x103: {  	v11 =	vld.idx.msk [tilespmem:v25+s20+$0x0], $0xffff;
	v25 =	vor.u32 $0x14, v16  }
0x104: {  	v44 =	vor.u32 $0x14, v13  }
0x105: {  	v42 =	vld.idx.msk [tilespmem:v42+s20+$0x0], $0xffff  }
0x106: {  	v32 =	vmul.f32 v2, v0;
	v0 =	vld [tilespmem:$0x1F8A0]  }
0x107: {  	v2 =	vld [tilespmem:$0x1F8B0]  }
0x108: {  	[tilespmem:$0x1FE70] =	vst v12;
	v12 =	vld.idx.msk [tilespmem:v25+s20+$0x0], $0xffff  }
0x109: {  	v38 =	vld.idx.msk [tilespmem:v44+s14+$0x0], $0xffff  }
0x10a: {  	v60 =	vld.idx.msk [tilespmem:v44+s20+$0x0], $0xffff  }
0x10b: {  	v44 =	vld.idx.msk [tilespmem:v25+s14+$0x0], $0xffff  }
0x10c: {  	v25 =	vor.u32 $0x15, v16;
	v33 =	vmul.f32 v2, v0;
	v0 =	vld [tilespmem:$0x1F8C0];
	_ =	sdelay $0x4  }
0x10d: {  	v35 =	vmul.f32 v42, v0;
	v0 =	vld.idx.msk [tilespmem:v25+s14+$0x0], $0xffff;
	_ =	sdelay $0x4  }
0x10e: {  	[tilespmem:$0x1FF60] =	vst v0;
	v0 =	vld.idx.msk [tilespmem:v25+s20+$0x0], $0xffff;
	_ =	sdelay $0x2  }
0x10f: {  	v39 =	vor.u32 $0x14, v19  }
0x110: {  	v46 =	vld.idx.msk [tilespmem:v46+s20+$0x0], $0xffff  }
0x111: {  	v29 =	vor.u32 $0x15, v19;
	[tilespmem:$0x1FF70] =	vst v0;
	v0 =	vld [tilespmem:$0x1F8D0];
	_ =	sdelay $0x2  }
0x112: {  	v53 =	vld.idx.msk [tilespmem:v39+s14+$0x0], $0xffff  }
0x113: {  	v15 =	vld.idx.msk [tilespmem:v39+s20+$0x0], $0xffff  }
0x114: {  	v39 =	vmul.f32 v46, v0;
	v0 =	vld.idx.msk [tilespmem:v29+s14+$0x0], $0xffff;
	_ =	sdelay $0x4  }
0x115: {  	[tilespmem:$0x1FF80] =	vst v0;
	v0 =	vld.idx.msk [tilespmem:v29+s20+$0x0], $0xffff;
	_ =	sdelay $0x3  }
0x116: {  	v52 =	vld.idx.msk [tilespmem:v52+s20+$0x0], $0xffff  }
0x117: {  	v3 =	vadd.f32 v6, v3;
	v6 =	vmul.f32 v26, v8;
	[tilespmem:$0x1FF90] =	vst v0;
	v0 =	vld [tilespmem:$0x1F8E0]  }
0x118: {  	v27 =	vld [tilespmem:$0x8460]  }
0x119: {  	v3 =	vadd.f32 v6, v3;
	[tilespmem:$0x1FED0] =	vst v21;
	v21 =	vmul.f32 v59, v63;
	v51 =	vmul.f32 v47, v36;
	_ =	sdelay $0x1  }
0x11a: {  	v54 =	vld.idx.msk [tilespmem:v54+s20+$0x0], $0xffff;
	v26 =	vmul.f32 v21, v50;
	v3 =	vadd.f32 v51, v3  }
0x11b: {  	v37 =	vor.u32 $0x15, v20;
	v36 =	vmul.f32 v40, v41;
	v43 =	vmul.f32 v52, v0;
	v0 =	vld [tilespmem:$0x1F8F0]  }
0x11c: {  	v3 =	vadd.f32 v26, v3;
	v1 =	vmul.f32 v24, v50;
	v7 =	vmul.f32 v33, v27;
	_ =	sdelay $0x1  }
0x11d: {  	v5 =	vadd.f32 v1, v5;
	v41 =	vadd.f32 v7, v3;
	v3 =	vmul.f32 v36, v27;
	_ =	sdelay $0x1  }
0x11e: {  	v18 =	vadd.f32 v3, v5;
	v3 =	vmul.f32 v54, v0;
	v0 =	vld.idx.msk [tilespmem:v37+s14+$0x0], $0xffff;
	_ =	sdelay $0x3  }
0x11f: {  	v55 =	vld.idx.msk [tilespmem:v55+s20+$0x0], $0xffff  }
0x120: {  	[tilespmem:$0x1FFA0] =	vst v0;
	v0 =	vld [tilespmem:$0x1F900];
	_ =	sdelay $0x3  }
0x121: {  	v56 =	vld.idx.msk [tilespmem:v56+s20+$0x0], $0xffff  }
0x122: {  	v40 =	vor.u32 $0x16, v13;
	v47 =	vmul.f32 v55, v0;
	v0 =	vld [tilespmem:$0x1F910];
	_ =	sdelay $0x4  }
0x123: {  	v55 =	vmul.f32 v56, v0;
	v0 =	vld.idx.msk [tilespmem:v40+s14+$0x0], $0xffff;
	_ =	sdelay $0x3  }
0x124: {  	v1 =	vld [tilespmem:$0x1F930]  }
0x125: {  	[tilespmem:$0x1FFB0] =	vst v0;
	v0 =	vld [tilespmem:$0x1F920];
	_ =	sdelay $0x4  }
0x126: {  	v59 =	vmul.f32 v1, v0;
	v0 =	vld.idx.msk [tilespmem:v40+s20+$0x0], $0xffff;
	_ =	sdelay $0x4  }
0x127: {  	[tilespmem:$0x1FFC0] =	vst v0;
	v0 =	vld [tilespmem:$0x1F940];
	_ =	sdelay $0x3  }
0x128: {  	v1 =	vld [tilespmem:$0x1F960]  }
0x129: {  	v46 =	vor.u32 $0x16, v16;
	v62 =	vmul.f32 v62, v0;
	v0 =	vld [tilespmem:$0x1F950];
	_ =	sdelay $0x4  }
0x12a: {  	v4 =	vmul.f32 v1, v0;
	v0 =	vld.idx.msk [tilespmem:v46+s14+$0x0], $0xffff;
	_ =	sdelay $0x3  }
0x12b: {  	v1 =	vld [tilespmem:$0x1F980]  }
0x12c: {  	[tilespmem:$0x1FFD0] =	vst v0;
	v0 =	vld [tilespmem:$0x1F970];
	_ =	sdelay $0x4  }
0x12d: {  	v6 =	vmul.f32 v1, v0;
	v0 =	vld [tilespmem:$0x1F990]  }
0x12e: {  	v1 =	vld [tilespmem:$0x1F9A0];
	_ =	sdelay $0x2  }
0x12f: {  	[tilespmem:$0x1FEF0] =	vst v38;
	v38 =	vmul.f32 v32, v27  }
0x130: {  	v34 =	vld [tilespmem:$0x8470]  }
0x131: {  	v17 =	vadd.f32 v38, v30;
	v38 =	vmul.f32 v1, v0;
	v0 =	vld [tilespmem:$0x1F9B0]  }
0x132: {  	v1 =	vld [tilespmem:$0x1F9C0];
	_ =	sdelay $0x4  }
0x133: {  	[tilespmem:$0x1FF00] =	vst v44;
	v44 =	vmul.f32 v39, v34;
	v39 =	vmul.f32 v1, v0;
	v0 =	vld [tilespmem:$0x1F9D0]  }
0x134: {  	v1 =	vld [tilespmem:$0x1F9E0];
	_ =	sdelay $0x4  }
0x135: {  	v40 =	vmul.f32 v1, v0;
	v0 =	vld [tilespmem:$0x1F9F0]  }
0x136: {  	v1 =	vld [tilespmem:$0x1FA00];
	_ =	sdelay $0x3  }
0x137: {  	v24 =	vld.idx.msk [tilespmem:v46+s20+$0x0], $0xffff  }
0x138: {  	v46 =	vmul.f32 v1, v0;
	v0 =	vld [tilespmem:$0x1FA10]  }
0x139: {  	v1 =	vld [tilespmem:$0x1FA20];
	_ =	sdelay $0x4  }
0x13a: {  	[tilespmem:$0x1FEC0] =	vst v11;
	v11 =	vmul.f32 v47, v34;
	v47 =	vmul.f32 v1, v0;
	v0 =	vld [tilespmem:$0x1FA30]  }
0x13b: {  	v1 =	vld [tilespmem:$0x1FA40];
	_ =	sdelay $0x2  }
0x13c: {  	v45 =	vor.u32 $0x14, v20;
	_ =	sdelay $0x1  }
0x13d: {  	v48 =	vmul.f32 v1, v0;
	v0 =	vld [tilespmem:$0x1FA50]  }
0x13e: {  	v1 =	vld [tilespmem:$0x1FA60];
	_ =	sdelay $0x1  }
0x13f: {  	v22 =	vld.idx.msk [tilespmem:v45+s14+$0x0], $0xffff  }
0x140: {  	v8 =	vld.idx.msk [tilespmem:v45+s20+$0x0], $0xffff  }
0x141: {  	v45 =	vld [tilespmem:$0x8480]  }
0x142: {  	v49 =	vmul.f32 v1, v0;
	v0 =	vld [tilespmem:$0x1FA70]  }
0x143: {  	v1 =	vld [tilespmem:$0x1FA80];
	_ =	sdelay $0x4  }
0x144: {  	v21 =	vmul.f32 v55, v45;
	v55 =	vmul.f32 v1, v0;
	v0 =	vld [tilespmem:$0x1FA90]  }
0x145: {  	v1 =	vld [tilespmem:$0x1FAA0]  }
0x146: {  	v14 =	vmul.f32 v35, v27;
	_ =	sdelay $0x1  }
0x147: {  	v42 =	vadd.f32 v14, v31;
	v56 =	vmul.f32 v3, v34;
	_ =	sdelay $0x1  }
0x148: {  	v61 =	vadd.f32 v56, v42;
	v56 =	vmul.f32 v1, v0;
	v0 =	vld [tilespmem:$0x1FAB0]  }
0x149: {  	v1 =	vld [tilespmem:$0x1FAC0];
	_ =	sdelay $0x4  }
0x14a: {  	[tilespmem:$0x1FF30] =	vst v22;
	v22 =	vmul.f32 v59, v45;
	v59 =	vmul.f32 v1, v0;
	v0 =	vld [tilespmem:$0x1FAD0]  }
0x14b: {  	v1 =	vld [tilespmem:$0x1FAE0];
	_ =	sdelay $0x2  }
0x14c: {  	v26 =	vmul.f32 v62, v45;
	_ =	sdelay $0x1  }
0x14d: {  	v23 =	vadd.f32 v26, v61;
	v61 =	vmul.f32 v1, v0;
	v0 =	vld [tilespmem:$0x1FAF0]  }
0x14e: {  	v1 =	vld [tilespmem:$0x1FB00];
	_ =	sdelay $0x4  }
0x14f: {  	v11 =	vadd.f32 v11, v18;
	v18 =	vmul.f32 v4, v45;
	v4 =	vmul.f32 v1, v0;
	v0 =	vld [tilespmem:$0x1FB10]  }
0x150: {  	v1 =	vld [tilespmem:$0x1FB20];
	_ =	sdelay $0x4  }
0x151: {  	[tilespmem:$0x1FF40] =	vst v8;
	v8 =	vmul.f32 v1, v0;
	v0 =	vld [tilespmem:$0x1FB30]  }
0x152: {  	v1 =	vld [tilespmem:$0x1FB40];
	_ =	sdelay $0x1  }
0x153: {  	v63 =	vld [tilespmem:$0x8490];
	_ =	sdelay $0x1  }
0x154: {  	v57 =	vor.u32 $0x15, v13;
	v52 =	vld [tilespmem:$0x84B0]  }
0x155: {  	v54 =	vmul.f32 v43, v34;
	v42 =	vadd.f32 v18, v11;
	v11 =	vmul.f32 v1, v0;
	v0 =	vld [tilespmem:$0x1FB50]  }
0x156: {  	v1 =	vld [tilespmem:$0x1FB60]  }
0x157: {  	v10 =	vadd.f32 v44, v17;
	v17 =	vadd.f32 v54, v41;
	v41 =	vld [tilespmem:$0x84A0];
	v25 =	vmul.f32 v6, v63  }
0x158: {  	v43 =	vmul.f32 v38, v63;
	v32 =	vmul.f32 v39, v63  }
0x159: {  	v54 =	vor.u32 $0x17, v20;
	v26 =	vmul.f32 v40, v63;
	v63 =	vmul.f32 v55, v52  }
0x15a: {  	v28 =	vld.idx.msk [tilespmem:v57+s14+$0x0], $0xffff;
	v21 =	vadd.f32 v21, v10;
	v34 =	vmul.f32 v56, v52;
	v39 =	vmul.f32 v59, v52  }
0x15b: {  	v6 =	vmul.f32 v61, v52;
	v52 =	vmul.f32 v1, v0;
	v0 =	vld [tilespmem:$0x1FB70]  }
0x15c: {  	v25 =	vadd.f32 v25, v21;
	v29 =	vmul.f32 v46, v41;
	v1 =	vld [tilespmem:$0x1FB80];
	_ =	sdelay $0x1  }
0x15d: {  	v29 =	vadd.f32 v29, v25  }
0x15e: {  	[tilespmem:$0x1FF50] =	vst v28;
	v28 =	vld.idx.msk [tilespmem:v54+s14+$0x0], $0xffff  }
0x15f: {  	v33 =	vadd.f32 v26, v42;
	v42 =	vadd.f32 v63, v29;
	v29 =	vld.idx.msk [tilespmem:v54+s20+$0x0], $0xffff  }
0x160: {  	v54 =	vmul.f32 v1, v0;
	v0 =	vld [tilespmem:$0x1FB90]  }
0x161: {  	v1 =	vld [tilespmem:$0x1FBA0];
	_ =	sdelay $0x4  }
0x162: {  	v61 =	vmul.f32 v1, v0;
	v0 =	vld [tilespmem:$0x1FBB0]  }
0x163: {  	v1 =	vld [tilespmem:$0x1FBC0];
	_ =	sdelay $0x1  }
0x164: {  	v58 =	vor.u32 $0x16, v19;
	_ =	sdelay $0x1  }
0x165: {  	v51 =	vld.idx.msk [tilespmem:v37+s20+$0x0], $0xffff  }
0x166: {  	v63 =	vmul.f32 v1, v0;
	v0 =	vld [tilespmem:$0x1FBD0]  }
0x167: {  	v1 =	vld [tilespmem:$0x1FBE0]  }
0x168: {  	v36 =	vld.idx.msk [tilespmem:v58+s14+$0x0], $0xffff;
	v27 =	vmul.f32 v49, v41  }
0x169: {  	v37 =	vadd.f32 v22, v17;
	v17 =	vld.idx.msk [tilespmem:v58+s20+$0x0], $0xffff  }
0x16a: {  	v58 =	vld [tilespmem:$0x84C0];
	v33 =	vadd.f32 v27, v33  }
0x16b: {  	v7 =	vor.u32 $0x17, v13;
	v10 =	vld [tilespmem:$0x84D0]  }
0x16c: {  	v40 =	vadd.f32 v6, v33;
	v6 =	vmul.f32 v1, v0;
	v0 =	vld [tilespmem:$0x1FBF0]  }
0x16d: {  	v1 =	vld [tilespmem:$0x1FC00]  }
0x16e: {  	[tilespmem:$0x1FF10] =	vst v53;
	v14 =	vor.u32 $0x18, v19;
	v32 =	vadd.f32 v32, v23;
	v53 =	vmul.f32 v48, v41  }
0x16f: {  	[tilespmem:$0x1FF20] =	vst v15;
	v45 =	vadd.f32 v43, v37;
	v31 =	vmul.f32 v47, v41;
	v9 =	vmul.f32 v4, v58  }
0x170: {  	v15 =	vld.idx.msk [tilespmem:v7+s14+$0x0], $0xffff;
	v32 =	vadd.f32 v53, v32;
	v53 =	vmul.f32 v8, v58;
	v41 =	vmul.f32 v54, v10  }
0x171: {  	v21 =	vld.idx.msk [tilespmem:v7+s20+$0x0], $0xffff;
	v38 =	vadd.f32 v9, v42;
	v8 =	vmul.f32 v61, v10;
	v9 =	vmul.f32 v63, v10  }
0x172: {  	v7 =	vadd.f32 v39, v32;
	v39 =	vmul.f32 v6, v10;
	v10 =	vmul.f32 v1, v0;
	v0 =	vld [tilespmem:$0x1FC10]  }
0x173: {  	v31 =	vadd.f32 v31, v45;
	v1 =	vld [tilespmem:$0x1FC20];
	_ =	sdelay $0x1  }
0x174: {  	v34 =	vadd.f32 v34, v31  }
0x175: {  	v37 =	vld.idx.msk [tilespmem:v14+s20+$0x0], $0xffff  }
0x176: {  	v42 =	vadd.f32 v53, v34;
	v34 =	vld.idx.msk [tilespmem:v14+s14+$0x0], $0xffff  }
0x177: {  	v14 =	vmul.f32 v1, v0;
	v0 =	vld [tilespmem:$0x1FC30]  }
0x178: {  	v1 =	vld [tilespmem:$0x1FC40];
	_ =	sdelay $0x3  }
0x179: {  	v55 =	vmul.f32 v11, v58  }
0x17a: {  	v59 =	vmul.f32 v52, v58;
	v58 =	vmul.f32 v1, v0;
	v0 =	vld [tilespmem:$0x1FC50]  }
0x17b: {  	v1 =	vld [tilespmem:$0x1FC60];
	_ =	sdelay $0x2  }
0x17c: {  	v62 =	vor.u32 $0x18, v13;
	_ =	sdelay $0x1  }
0x17d: {  	v40 =	vadd.f32 v59, v40;
	v59 =	vmul.f32 v1, v0;
	v0 =	vld [tilespmem:$0x1FC70]  }
0x17e: {  	v1 =	vld [tilespmem:$0x1FC80];
	_ =	sdelay $0x1  }
0x17f: {  	v30 =	vld.idx.msk [tilespmem:v62+s14+$0x0], $0xffff  }
0x180: {  	v5 =	vor.u32 $0x16, v20;
	v32 =	vld.idx.msk [tilespmem:v62+s20+$0x0], $0xffff;
	v62 =	vadd.f32 v55, v7;
	_ =	sdelay $0x1  }
0x181: {  	v43 =	vadd.f32 v9, v62;
	v62 =	vmul.f32 v1, v0;
	v0 =	vld [tilespmem:$0x1FC90]  }
0x182: {  	v1 =	vld [tilespmem:$0x1FCA0];
	_ =	sdelay $0x1  }
0x183: {  	v44 =	vor.u32 $0x17, v16;
	v22 =	vld.idx.msk [tilespmem:v5+s20+$0x0], $0xffff  }
0x184: {  	v18 =	vld.idx.msk [tilespmem:v5+s14+$0x0], $0xffff  }
0x185: {  	v5 =	vor.u32 $0x18, v16;
	v4 =	vld [tilespmem:$0x84E0]  }
0x186: {  	v63 =	vmul.f32 v1, v0;
	v0 =	vld [tilespmem:$0x1FCB0]  }
0x187: {  	v1 =	vld [tilespmem:$0x1FCC0]  }
0x188: {  	v23 =	vld.idx.msk [tilespmem:v44+s14+$0x0], $0xffff  }
0x189: {  	v25 =	vld.idx.msk [tilespmem:v44+s20+$0x0], $0xffff  }
0x18a: {  	v50 =	vor.u32 $0x17, v19;
	v31 =	vld.idx.msk [tilespmem:v5+s14+$0x0], $0xffff;
	v44 =	vmul.f32 v10, v4  }
0x18b: {  	v33 =	vld.idx.msk [tilespmem:v5+s20+$0x0], $0xffff;
	v5 =	vmul.f32 v14, v4;
	v53 =	vmul.f32 v58, v4  }
0x18c: {  	v46 =	vmul.f32 v59, v4;
	v4 =	vmul.f32 v1, v0;
	v0 =	vld [tilespmem:$0x1FCD0]  }
0x18d: {  	v1 =	vld [tilespmem:$0x1FCE0];
	_ =	sdelay $0x1  }
0x18e: {  	v26 =	vld.idx.msk [tilespmem:v50+s14+$0x0], $0xffff;
	v7 =	vor.u32 $0x19, v13  }
0x18f: {  	v27 =	vld.idx.msk [tilespmem:v50+s20+$0x0], $0xffff;
	v11 =	vor.u32 $0x19, v16  }
0x190: {  	v50 =	vld [tilespmem:$0x84F0]  }
0x191: {  	v9 =	vmul.f32 v1, v0;
	v0 =	vld [tilespmem:$0x1FCF0]  }
0x192: {  	v1 =	vld [tilespmem:$0x1FD00]  }
0x193: {  	v41 =	vadd.f32 v41, v38;
	v61 =	vadd.f32 v39, v40;
	v39 =	vld.idx.msk [tilespmem:v7+s14+$0x0], $0xffff  }
0x194: {  	v42 =	vadd.f32 v8, v42;
	v40 =	vld.idx.msk [tilespmem:v11+s14+$0x0], $0xffff  }
0x195: {  	v44 =	vadd.f32 v44, v41;
	v41 =	vld.idx.msk [tilespmem:v7+s20+$0x0], $0xffff;
	v7 =	vmul.f32 v62, v50  }
0x196: {  	v14 =	vadd.f32 v5, v42;
	v42 =	vld.idx.msk [tilespmem:v11+s20+$0x0], $0xffff  }
0x197: {  	v11 =	vadd.f32 v7, v44;
	v7 =	vmul.f32 v1, v0;
	v0 =	vld [tilespmem:$0x1FD10]  }
0x198: {  	v1 =	vld [tilespmem:$0x1FD20];
	_ =	sdelay $0x2  }
0x199: {  	v8 =	vmul.f32 v63, v50  }
0x19a: {  	v6 =	vor.u32 $0x19, v19  }
0x19b: {  	v14 =	vadd.f32 v8, v14;
	v8 =	vmul.f32 v1, v0;
	v0 =	vld [tilespmem:$0x1FD30]  }
0x19c: {  	v1 =	vld [tilespmem:$0x1FD40];
	_ =	sdelay $0x2  }
0x19d: {  	v53 =	vadd.f32 v53, v43;
	v43 =	vld.idx.msk [tilespmem:v6+s14+$0x0], $0xffff  }
0x19e: {  	v44 =	vld.idx.msk [tilespmem:v6+s20+$0x0], $0xffff  }
0x19f: {  	v6 =	vmul.f32 v9, v50;
	v9 =	vmul.f32 v1, v0;
	v0 =	vld [tilespmem:$0x1FD50]  }
0x1a0: {  	v1 =	vld [tilespmem:$0x1FD60];
	_ =	sdelay $0x2  }
0x1a1: {  	v10 =	vmul.f32 v4, v50;
	_ =	sdelay $0x1  }
0x1a2: {  	v56 =	vor.u32 $0x18, v20;
	v52 =	vadd.f32 v10, v53;
	v10 =	vmul.f32 v1, v0;
	v0 =	vld [tilespmem:$0x1FD70]  }
0x1a3: {  	v1 =	vld [tilespmem:$0x1FD80];
	_ =	sdelay $0x1  }
0x1a4: {  	v55 =	vld [tilespmem:$0x8500]  }
0x1a5: {  	v3 =	vld [tilespmem:$0x1FDA0];
	v5 =	vor.u32 $0x19, v20  }
0x1a6: {  	v35 =	vld.idx.msk [tilespmem:v56+s14+$0x0], $0xffff  }
0x1a7: {  	v2 =	vmul.f32 v1, v0;
	v1 =	vld [tilespmem:$0x1FD90]  }
0x1a8: {  	v38 =	vld.idx.msk [tilespmem:v56+s20+$0x0], $0xffff  }
0x1a9: {  	v56 =	vld [tilespmem:$0x8510];
	v59 =	vor.u32 $0x1A, v13;
	v49 =	vmul.f32 v7, v55  }
0x1aa: {  	v48 =	vld.idx.msk [tilespmem:v5+s20+$0x0], $0xffff  }
0x1ab: {  	v54 =	vadd.f32 v46, v61;
	v61 =	vadd.f32 v49, v11;
	v11 =	vld [tilespmem:$0x1FDC0]  }
0x1ac: {  	v1 =	vmul.f32 v3, v1;
	v3 =	vld [tilespmem:$0x1FDB0]  }
0x1ad: {  	v46 =	vld.idx.msk [tilespmem:v5+s14+$0x0], $0xffff  }
0x1ae: {  	v47 =	vld.idx.msk [tilespmem:v59+s14+$0x0], $0xffff;
	v50 =	vmul.f32 v8, v55  }
0x1af: {  	v54 =	vadd.f32 v6, v54;
	v49 =	vld.idx.msk [tilespmem:v59+s20+$0x0], $0xffff;
	v53 =	vmul.f32 v9, v55;
	v55 =	vmul.f32 v10, v55  }
0x1b0: {  	v58 =	vor.u32 $0x1A, v16;
	v59 =	vadd.f32 v50, v14;
	v9 =	vld [tilespmem:$0x1FDE0];
	v2 =	vmul.f32 v2, v56  }
0x1b1: {  	v5 =	vadd.f32 v55, v54;
	v55 =	vld [tilespmem:$0x1FDD0];
	v14 =	vmul.f32 v11, v3;
	v3 =	vmul.f32 v1, v56  }
0x1b2: {  	v6 =	vadd.f32 v2, v61;
	v2 =	vld [tilespmem:$0x1FDF0];
	v1 =	vor.u32 $0x1A, v20  }
0x1b3: {  	v7 =	vadd.f32 v3, v59;
	v3 =	vld [tilespmem:$0x1FE00]  }
0x1b4: {  	v63 =	vld [tilespmem:$0x8520]  }
0x1b5: {  	v50 =	vld.idx.msk [tilespmem:v58+s14+$0x0], $0xffff  }
0x1b6: {  	v45 =	vadd.f32 v53, v52;
	v52 =	vld.idx.msk [tilespmem:v58+s20+$0x0], $0xffff;
	v10 =	vmul.f32 v9, v55  }
0x1b7: {  	v11 =	vmul.f32 v14, v56;
	v55 =	vld.idx.msk [tilespmem:v1+s14+$0x0], $0xffff  }
0x1b8: {  	v56 =	vmul.f32 v10, v56;
	v58 =	vmul.f32 v3, v2;
	v2 =	vld [tilespmem:$0x1FE10]  }
0x1b9: {  	v0 =	vor.u32 $0x1A, v19;
	v3 =	vld [tilespmem:$0x1FE20]  }
0x1ba: {  	v5 =	vadd.f32 v56, v5;
	v56 =	vld.idx.msk [tilespmem:v1+s20+$0x0], $0xffff;
	v58 =	vmul.f32 v58, v63  }
0x1bb: {  	v1 =	vld [tilespmem:$0x1FE70]  }
0x1bc: {  	v4 =	vadd.f32 v58, v6;
	v58 =	vld [tilespmem:$0x1FE80];
	_ =	sdelay $0x1  }
0x1bd: {  	v53 =	vld.idx.msk [tilespmem:v0+s14+$0x0], $0xffff;
	v14 =	vmul.f32 v3, v2  }
0x1be: {  	v2 =	vld [tilespmem:$0x1FE30]  }
0x1bf: {  	v3 =	vld [tilespmem:$0x1FE40];
	v59 =	vmul.f32 v14, v63  }
0x1c0: {  	v6 =	vmul.f32 v58, v1;
	v1 =	vld [tilespmem:$0x1FE90]  }
0x1c1: {  	v7 =	vadd.f32 v59, v7;
	v59 =	vld [tilespmem:$0x1FEA0]  }
0x1c2: {  	v54 =	vld.idx.msk [tilespmem:v0+s20+$0x0], $0xffff  }
0x1c3: {  	v0 =	vor.u32 $0x1B, v13;
	v14 =	vld [tilespmem:$0x1FEC0]  }
0x1c4: {  	v8 =	vadd.f32 v11, v45;
	v45 =	vmul.f32 v3, v2;
	v2 =	vld [tilespmem:$0x1FE50]  }
0x1c5: {  	v3 =	vld [tilespmem:$0x1FE60]  }
0x1c6: {  	v59 =	vmul.f32 v59, v1;
	v1 =	vld [tilespmem:$0x1FEB0]  }
0x1c7: {  	v62 =	vld [tilespmem:$0x8530]  }
0x1c8: {  	v58 =	vld.idx.msk [tilespmem:v0+s14+$0x0], $0xffff;
	v61 =	vmul.f32 v45, v63  }
0x1c9: {  	v45 =	vld [tilespmem:$0x1FED0]  }
0x1ca: {  	v8 =	vadd.f32 v61, v8;
	v61 =	vld [tilespmem:$0x1FEE0];
	v3 =	vmul.f32 v3, v2;
	v2 =	vor.u32 $0x1B, v16  }
0x1cb: {  	v1 =	vmul.f32 v14, v1;
	v14 =	vld.idx.msk [tilespmem:v0+s20+$0x0], $0xffff  }
0x1cc: {  	v0 =	vld [tilespmem:$0x1FEF0];
	_ =	sdelay $0x1  }
0x1cd: {  	v1 =	vmul.f32 v1, v62  }
0x1ce: {  	v11 =	vmul.f32 v59, v62;
	v59 =	vld.idx.msk [tilespmem:v2+s14+$0x0], $0xffff  }
0x1cf: {  	v9 =	vadd.f32 v1, v8;
	v1 =	vld [tilespmem:$0x1FF10]  }
0x1d0: {  	v10 =	vmul.f32 v61, v45;
	v45 =	vmul.f32 v60, v0;
	v60 =	vld.idx.msk [tilespmem:v2+s20+$0x0], $0xffff  }
0x1d1: {  	v0 =	vld [tilespmem:$0x1FF00]  }
0x1d2: {  	v2 =	vld [tilespmem:$0x1FF20]  }
0x1d3: {  	v6 =	vmul.f32 v6, v62;
	v3 =	vmul.f32 v3, v63;
	_ =	sdelay $0x1  }
0x1d4: {  	v4 =	vadd.f32 v6, v4;
	v3 =	vadd.f32 v3, v5;
	v6 =	vmul.f32 v10, v62  }
0x1d5: {  	v63 =	vld [tilespmem:$0x8540]  }
0x1d6: {  	v5 =	vmul.f32 v12, v0;
	v0 =	vadd.f32 v6, v3;
	v6 =	vmul.f32 v2, v1;
	v1 =	vld [tilespmem:$0x1FF30]  }
0x1d7: {  	v2 =	vld [tilespmem:$0x1FF40];
	_ =	sdelay $0x3  }
0x1d8: {  	v57 =	vld.idx.msk [tilespmem:v57+s20+$0x0], $0xffff  }
0x1d9: {  	v12 =	vmul.f32 v45, v63;
	v45 =	vmul.f32 v2, v1;
	v1 =	vld [tilespmem:$0x1FF50];
	_ =	sdelay $0x1  }
0x1da: {  	v10 =	vadd.f32 v11, v7;
	v7 =	vld [tilespmem:$0x8550];
	v5 =	vmul.f32 v5, v63;
	v62 =	vmul.f32 v45, v63  }
0x1db: {  	v4 =	vadd.f32 v12, v4;
	v12 =	vld [tilespmem:$0x1FF70]  }
0x1dc: {  	v5 =	vadd.f32 v5, v10;
	v10 =	vadd.f32 v62, v0;
	v0 =	vld [tilespmem:$0x1FF80]  }
0x1dd: {  	v57 =	vmul.f32 v57, v1;
	v1 =	vld [tilespmem:$0x1FF60]  }
0x1de: {  	v62 =	vld [tilespmem:$0x1FF90]  }
0x1df: {  	v46 =	vmul.f32 v48, v46;
	v48 =	vor.u32 $0x1E, v16  }
0x1e0: {  	v61 =	vld [tilespmem:$0x8560]  }
0x1e1: {  	v11 =	vld [tilespmem:$0x8590];
	v6 =	vmul.f32 v6, v63  }
0x1e2: {  	v8 =	vld [tilespmem:$0x8580];
	v45 =	vmul.f32 v12, v1  }
0x1e3: {  	v6 =	vadd.f32 v6, v9;
	v9 =	vmul.f32 v57, v7;
	v57 =	vmul.f32 v62, v0;
	v0 =	vld [tilespmem:$0x1FFA0]  }
0x1e4: {  	v14 =	vmul.f32 v14, v58;
	v58 =	vld.idx.msk [tilespmem:v48+s14+$0x0], $0xffff;
	v45 =	vmul.f32 v45, v7  }
0x1e5: {  	v2 =	vor.u32 $0x1B, v19;
	v62 =	vld [tilespmem:$0x1FFB0]  }
0x1e6: {  	v5 =	vadd.f32 v45, v5;
	v45 =	vld [tilespmem:$0x1FFC0]  }
0x1e7: {  	v3 =	vld [tilespmem:$0x8570]  }
0x1e8: {  	v63 =	vld [tilespmem:$0x85B0];
	v4 =	vadd.f32 v9, v4;
	v9 =	vmul.f32 v51, v0;
	v0 =	vor.u32 $0x1C, v13  }
0x1e9: {  	v17 =	vmul.f32 v17, v36;
	v15 =	vmul.f32 v21, v15;
	v12 =	vld [tilespmem:$0x85A0]  }
0x1ea: {  	v47 =	vmul.f32 v49, v47;
	v49 =	vmul.f32 v52, v50;
	v51 =	vld.idx.msk [tilespmem:v2+s14+$0x0], $0xffff  }
0x1eb: {  	v52 =	vor.u32 $0x1E, v19;
	v57 =	vmul.f32 v57, v7;
	v2 =	vld.idx.msk [tilespmem:v2+s20+$0x0], $0xffff;
	v62 =	vmul.f32 v45, v62  }
0x1ec: {  	v50 =	vmul.f32 v54, v53;
	v54 =	vmul.f32 v56, v55;
	v1 =	vor.u32 $0x1B, v20;
	v45 =	vld [tilespmem:$0x1FFD0]  }
0x1ed: {  	v56 =	vor.u32 $0x1E, v20;
	v6 =	vadd.f32 v57, v6;
	v36 =	vld.idx.msk [tilespmem:v0+s14+$0x0], $0xffff;
	v57 =	vmul.f32 v62, v61  }
0x1ee: {  	v7 =	vmul.f32 v9, v7;
	v0 =	vld.idx.msk [tilespmem:v0+s20+$0x0], $0xffff;
	v62 =	vmul.f32 v22, v18;
	v22 =	vor.u32 $0x1C, v19  }
0x1ef: {  	v17 =	vmul.f32 v17, v61;
	v18 =	vld [tilespmem:$0x85C0];
	v4 =	vadd.f32 v57, v4;
	v57 =	vmul.f32 v15, v3  }
0x1f0: {  	v7 =	vadd.f32 v7, v10;
	v10 =	vmul.f32 v62, v61;
	v62 =	vmul.f32 v29, v28;
	v28 =	vld [tilespmem:$0x85D0]  }
0x1f1: {  	v9 =	vmul.f32 v24, v45;
	v24 =	vld.idx.msk [tilespmem:v1+s14+$0x0], $0xffff;
	v4 =	vadd.f32 v57, v4;
	v57 =	vmul.f32 v37, v34  }
0x1f2: {  	v45 =	vor.u32 $0x1C, v16;
	v1 =	vld.idx.msk [tilespmem:v1+s20+$0x0], $0xffff;
	v37 =	vmul.f32 v38, v35;
	v38 =	vmul.f32 v41, v39  }
0x1f3: {  	v9 =	vmul.f32 v9, v61;
	v61 =	vmul.f32 v27, v26;
	v26 =	vld.idx.msk [tilespmem:v22+s14+$0x0], $0xffff  }
0x1f4: {  	v41 =	vmul.f32 v42, v40;
	v22 =	vld.idx.msk [tilespmem:v22+s20+$0x0], $0xffff  }
0x1f5: {  	v21 =	vor.u32 $0x1C, v20;
	v25 =	vmul.f32 v25, v23;
	v42 =	vmul.f32 v38, v11;
	v38 =	vld.idx.msk [tilespmem:v52+s20+$0x0], $0xffff  }
0x1f6: {  	v43 =	vmul.f32 v44, v43;
	v44 =	vmul.f32 v41, v11;
	v41 =	vld.idx.msk [tilespmem:v56+s14+$0x0], $0xffff  }
0x1f7: {  	v6 =	vadd.f32 v17, v6;
	v39 =	vor.u32 $0x1D, v20;
	v17 =	vld.idx.msk [tilespmem:v45+s14+$0x0], $0xffff  }
0x1f8: {  	v27 =	vor.u32 $0x1D, v13;
	v5 =	vadd.f32 v9, v5;
	v9 =	vmul.f32 v25, v3;
	v23 =	vld.idx.msk [tilespmem:v45+s20+$0x0], $0xffff  }
0x1f9: {  	v45 =	vmul.f32 v33, v31;
	v31 =	vmul.f32 v43, v11;
	v43 =	vld.idx.msk [tilespmem:v56+s20+$0x0], $0xffff  }
0x1fa: {  	v5 =	vadd.f32 v9, v5;
	v9 =	vld.idx.msk [tilespmem:v21+s14+$0x0], $0xffff  }
0x1fb: {  	v32 =	vmul.f32 v32, v30;
	v60 =	vmul.f32 v60, v59;
	v25 =	vor.u32 $0x1D, v16;
	v21 =	vld.idx.msk [tilespmem:v21+s20+$0x0], $0xffff  }
0x1fc: {  	v7 =	vadd.f32 v10, v7;
	v15 =	vmul.f32 v61, v3;
	v3 =	vmul.f32 v62, v3;
	v34 =	vld.idx.msk [tilespmem:v39+s14+$0x0], $0xffff  }
0x1fd: {  	v53 =	vmul.f32 v49, v12;
	v2 =	vmul.f32 v2, v51;
	v61 =	vor.u32 $0x1D, v19;
	v30 =	vld.idx.msk [tilespmem:v27+s14+$0x0], $0xffff  }
0x1fe: {  	v10 =	vmul.f32 v32, v8;
	v3 =	vadd.f32 v3, v7;
	v7 =	vmul.f32 v57, v8;
	v27 =	vld.idx.msk [tilespmem:v27+s20+$0x0], $0xffff  }
0x1ff: {  	v62 =	vmul.f32 v45, v8;
	v8 =	vmul.f32 v37, v8;
	v37 =	vld [tilespmem:$0x85E0]  }
0x200: {  	v0 =	vmul.f32 v0, v36;
	v16 =	vor.u32 $0x1F, v16;
	v6 =	vadd.f32 v15, v6;
	v15 =	vld.idx.msk [tilespmem:v25+s14+$0x0], $0xffff  }
0x201: {  	v2 =	vmul.f32 v2, v63;
	v32 =	vmul.f32 v50, v12;
	v25 =	vld.idx.msk [tilespmem:v25+s20+$0x0], $0xffff  }
0x202: {  	v35 =	vmul.f32 v60, v63;
	v0 =	vmul.f32 v0, v18;
	v4 =	vadd.f32 v10, v4;
	v10 =	vld.idx.msk [tilespmem:v61+s14+$0x0], $0xffff  }
0x203: {  	v19 =	vor.u32 $0x1F, v19;
	v1 =	vmul.f32 v1, v24;
	v45 =	vor.u32 $0x1E, v13;
	v29 =	vld.idx.msk [tilespmem:v61+s20+$0x0], $0xffff  }
0x204: {  	v4 =	vadd.f32 v42, v4;
	v57 =	vmul.f32 v54, v12;
	v5 =	vadd.f32 v62, v5;
	v62 =	vld.idx.msk [tilespmem:v48+s20+$0x0], $0xffff  }
0x205: {  	v13 =	vor.u32 $0x1F, v13;
	v1 =	vmul.f32 v1, v63;
	v6 =	vadd.f32 v7, v6;
	v48 =	vld.idx.msk [tilespmem:v16+s14+$0x0], $0xffff  }
0x206: {  	v22 =	vmul.f32 v22, v26;
	v7 =	vmul.f32 v46, v11;
	v3 =	vadd.f32 v8, v3;
	v16 =	vld.idx.msk [tilespmem:v16+s20+$0x0], $0xffff  }
0x207: {  	v8 =	vmul.f32 v47, v12;
	v61 =	vmul.f32 v14, v63;
	v6 =	vadd.f32 v31, v6;
	v31 =	vld.idx.msk [tilespmem:v39+s20+$0x0], $0xffff  }
0x208: {  	v22 =	vmul.f32 v22, v18;
	v47 =	vor.u32 $0x1F, v20;
	v42 =	vmul.f32 v23, v17;
	v55 =	vld.idx.msk [tilespmem:v45+s14+$0x0], $0xffff  }
0x209: {  	v5 =	vadd.f32 v44, v5;
	v3 =	vadd.f32 v7, v3;
	v9 =	vmul.f32 v21, v9;
	v33 =	vld.idx.msk [tilespmem:v45+s20+$0x0], $0xffff  }
0x20a: {  	v4 =	vadd.f32 v8, v4;
	v6 =	vadd.f32 v32, v6;
	v32 =	vld.idx.msk [tilespmem:v52+s14+$0x0], $0xffff;
	v45 =	vmul.f32 v42, v18  }
0x20b: {  	v46 =	vld.idx.msk [tilespmem:v13+s14+$0x0], $0xffff;
	v5 =	vadd.f32 v53, v5;
	v3 =	vadd.f32 v57, v3;
	v9 =	vmul.f32 v9, v18  }
0x20c: {  	v13 =	vld.idx.msk [tilespmem:v13+s20+$0x0], $0xffff;
	v4 =	vadd.f32 v61, v4;
	v15 =	vmul.f32 v25, v15;
	v49 =	vmul.f32 v29, v10  }
0x20d: {  	v52 =	vld.idx.msk [tilespmem:v19+s14+$0x0], $0xffff;
	v2 =	vadd.f32 v2, v6;
	v8 =	vmul.f32 v62, v58;
	v61 =	vmul.f32 v16, v48  }
0x20e: {  	v19 =	vld.idx.msk [tilespmem:v19+s20+$0x0], $0xffff;
	v5 =	vadd.f32 v35, v5;
	v1 =	vadd.f32 v1, v3;
	v3 =	vmul.f32 v27, v30  }
0x20f: {  	v0 =	vadd.f32 v0, v4;
	v50 =	vmul.f32 v31, v34;
	v51 =	vmul.f32 v15, v28  }
0x210: {  	v44 =	vld [tilespmem:$0x85F0];
	v2 =	vadd.f32 v22, v2;
	v4 =	vmul.f32 v49, v28;
	v59 =	vmul.f32 v8, v37  }
0x211: {  	v54 =	vld.idx.msk [tilespmem:v47+s14+$0x0], $0xffff;
	v5 =	vadd.f32 v45, v5;
	v3 =	vmul.f32 v3, v28;
	v10 =	vmul.f32 v50, v28  }
0x212: {  	v56 =	vld.idx.msk [tilespmem:v47+s20+$0x0], $0xffff;
	v1 =	vadd.f32 v9, v1;
	v53 =	vmul.f32 v33, v55;
	v55 =	vmul.f32 v43, v41  }
0x213: {  	v57 =	vmul.f32 v13, v46;
	v62 =	vmul.f32 v19, v52;
	v2 =	vadd.f32 v4, v2  }
0x214: {  	v0 =	vadd.f32 v3, v0;
	v3 =	vmul.f32 v38, v32;
	v58 =	vmul.f32 v53, v37  }
0x215: {  	v9 =	vmul.f32 v61, v44;
	v5 =	vadd.f32 v51, v5;
	v1 =	vadd.f32 v10, v1  }
0x216: {  	v6 =	vmul.f32 v57, v44;
	v3 =	vmul.f32 v3, v37;
	v0 =	vadd.f32 v58, v0  }
0x217: {  	v60 =	vmul.f32 v55, v37;
	v63 =	vmul.f32 v56, v54;
	v4 =	vadd.f32 v59, v5  }
0x218: {  	p0 =	sne.s32 s16, $0x1C0;
	v2 =	vadd.f32 v3, v2;
	v0 =	vadd.f32 v6, v0;
	v3 =	vmul.f32 v62, v44  }
.Ltmp0:
0x219: {  	v1 =	vadd.f32 v60, v1;
	v5 =	vmul.f32 v63, v44;
	v4 =	vadd.f32 v9, v4;
	(pc) =	sbr.rel @p0 .LBB2_2-.Ltmp0, $4  }
0x21a: {  	v2 =	vadd.f32 v3, v2;
	[tilespmem:s15+$0xFFFFFFE0] =	vst v0  }
0x21b: {  	v0 =	vadd.f32 v5, v1;
	[tilespmem:s15+$0xFFFFFFF0] =	vst v4  }
0x21c: {  	[tilespmem:s15+$0x0] =	vst v2  }
0x21d: {  	s16 =	sadd.s32 $0x40, s16;
	v2 =	vld [tilespmem:$0x1FFF0];
	[tilespmem:s15+$0x10] =	vst v0;
	s15 =	sadd.s32 $0x40, s15  }
0x21e: {  	s2 =	sadd.s32 $0x1, s2  }
0x21f: {  	p0 =	sne.s32 s2, s10  }
.Ltmp1:
0x220: {  	_ = 	snop;
	(pc) =	sbr.rel @p0 .LBB2_1-.Ltmp1, $4  }
0x221: {  	[hbm4b:s9+s1] =	stream.linear.scatter [tilespmem:s0], [sflag:$0x3], $0x200, $0x38;
	[tilespmem:$0x8810] =	vst v63  }
0x222: {  	_ =	swait.ge [sflag:s11], $0x200  }
0x223: {  	[sflag:s11] =	ssyncset.done $0x0  }
0x224: {  	[sflag:s11] =	ssyncadd.s32 $0xFFFFFE00  }
0x225: {  	_ =	sfence.sel $0x180000  }
0x226: {  	[bflag:$0x0] =	sbarrier.arrive $0xFFFF  }
0x227: {  	_ =	strace $0x90000047  }
0x228: {  	s0 =	stileid.u32;
	[bflag:$0x2] =	sbarrier.arrive $0xFFFF  }
0x229: {  	p0 =	sne.s32 s0, $0x0;
	s0 =	rddreg [dreg:$0x4]  }
0x22a: {  	s0 =	sadd.s32 @!p0 $0x100000, s0  }
0x22b: {  	[sflag:s0] =	ssyncadd.tile.s32 @!p0 $0x1;
	_ =	shalt  }
.Lfunc_end2:
_tile_overlayer_lowered:
.L_overlay_start_2:
0x22c: {  	(tag) =	ssettag $0x2  }
0x22d: {  	s0 =	rddreg [dreg:$0x0];
	s2 =	stileid.u32  }
0x22e: {  	s1 =	rddreg [dreg:$0x1];
	p0 =	sne.s32 s2, $0x0  }
0x22f: {  	s3 =	rddreg [dreg:$0x2];
	[bflag:$0x3] =	sbarrier.arrive $0xFFFF;
	s2 =	simm.s32 @!p0 $0x1C03  }
0x230: {  	[timem:s3], [sflag:s2] =	dma.local @!p0 [hbm:s0], s1  }
0x231: {  	s0 =	simm.s32 @!p0 $0x3  }
0x232: {  	_ =	swait.ge @!p0 [sflag:s0], s1  }
0x233: {  	s1 =	ssub.s32 @!p0 $0x0, s1;
	[sflag:s0] =	ssyncset.done @!p0 $0x0  }
0x234: {  	[sflag:s0] =	ssyncadd.s32 @!p0 s1  }
0x235: {  	[bflag:$0x3] =	sbarrier.arrive $0xFFFF  }
0x236: {  	_ =	shalt  }

</sc_bundles>
